<compile_context>
chip_gen: v7x
topology: tpu7x:2x2x1
jax: 0.10.2.dev20260603
libtpu: 0.0.44.dev20260713+nightly
codegen_flags: <defaults>
</compile_context>

<pallas_src>
import jax
import jax.numpy as jnp
from jax import lax
from jax.experimental import pallas as pl
from jax.experimental.pallas import tpu as pltpu
from jax.experimental.pallas import tpu_sc as plsc

D = 128
C = 128
G = 256
NSET = 3
NW = 32
R = 16384
PEP = 256
N_SC = 163840


def _sc_body(x_hbm, idx_hbm, pe_hbm, out_hbm, x_v, idx_v, sem_x, sem_pe, sem_o):
    nc = 2
    wid = lax.axis_index("s") * nc + lax.axis_index("c")
    rows_per_w = N_SC // NW
    groups = rows_per_w // G
    base = wid * rows_per_w

    pltpu.sync_copy(idx_hbm.at[pl.ds(base, rows_per_w)], idx_v)

    def fire_load(t):
        s = lax.rem(t, NSET)
        return pltpu.async_copy(x_hbm.at[pl.ds(base + t * G, G)], x_v.at[s], sem_x)

    def wait_load(t):
        s = lax.rem(t, NSET)
        pltpu.make_async_copy(
            x_hbm.at[pl.ds(base + t * G, G)], x_v.at[s], sem_x).wait()

    def fire_gather(t):
        s = lax.rem(t, NSET)
        for k in range(G // C):
            pltpu.async_copy(
                pe_hbm.at[idx_v.at[pl.ds(t * G + k * C, C)]],
                x_v.at[s, pl.ds(k * C, C)], sem_pe, add=True)

    def wait_gather(t):
        s = lax.rem(t, NSET)
        for k in range(G // C):
            pltpu.make_async_copy(
                pe_hbm.at[idx_v.at[pl.ds(t * G + k * C, C)]],
                x_v.at[s, pl.ds(k * C, C)], sem_pe).wait()

    def fire_store(t):
        s = lax.rem(t, NSET)
        return pltpu.async_copy(x_v.at[s], out_hbm.at[pl.ds(base + t * G, G)], sem_o)

    ld0 = fire_load(0)
    ld0.wait()
    fire_gather(0)
    ld1 = fire_load(1)

    wait_gather(0)
    st0 = fire_store(0)
    ld1.wait()
    fire_gather(1)
    st0.wait()
    fire_load(2)

    def body(t, _):
        wait_gather(t - 1)
        st = fire_store(t - 1)
        wait_load(t)
        fire_gather(t)
        st.wait()
        fire_load(t + 1)
        return ()

    lax.fori_loop(2, groups - 1, body, ())

    t = groups - 1
    wait_gather(t - 1)
    st = fire_store(t - 1)
    wait_load(t)
    fire_gather(t)
    st.wait()
    wait_gather(t)
    stl = fire_store(t)
    stl.wait()


def _pe_add_sc(x2d, idx1d, pe):
    mesh = plsc.VectorSubcoreMesh(core_axis_name="c", subcore_axis_name="s")
    f = pl.kernel(
        _sc_body,
        out_type=jax.ShapeDtypeStruct((N_SC, D), jnp.float32),
        mesh=mesh,
        scratch_types=[
            pltpu.VMEM((NSET, G, D), jnp.float32),
            pltpu.VMEM((N_SC // NW,), jnp.int32),
            pltpu.SemaphoreType.DMA,
            pltpu.SemaphoreType.DMA,
            pltpu.SemaphoreType.DMA,
        ],
    )
    return f(x2d, idx1d, pe)


def _tc_body(idx_ref, x_ref, pe_ref, out_ref):
    idx = idx_ref[0, 0, :].reshape(R, 1)
    iota = lax.broadcasted_iota(jnp.int32, (R, PEP), 1)
    onehot = (idx == iota).astype(jnp.bfloat16)
    add = jnp.dot(onehot, pe_ref[...], preferred_element_type=jnp.float32)
    out_ref[...] = x_ref[...] + add


def _pe_add_tc(x2d, idx3d, pe_pad):
    n = x2d.shape[0]
    off = N_SC // R
    return pl.pallas_call(
        _tc_body,
        out_shape=jax.ShapeDtypeStruct((n, D), jnp.float32),
        grid=((n - N_SC) // R,),
        in_specs=[
            pl.BlockSpec((1, 1, R), lambda i: (i + off, 0, 0)),
            pl.BlockSpec((R, D), lambda i: (i + off, 0)),
            pl.BlockSpec((PEP, D), lambda i: (0, 0)),
        ],
        out_specs=pl.BlockSpec((R, D), lambda i: (i + off, 0)),
    )(idx3d, x2d, pe_pad)


def _merge_body(sc_ref, partial_ref, out_ref):
    del partial_ref
    out_ref[...] = sc_ref[...]


def _merge(out_sc, partial):
    n = partial.shape[0]
    return pl.pallas_call(
        _merge_body,
        out_shape=jax.ShapeDtypeStruct((n, D), jnp.float32),
        grid=(N_SC // R,),
        in_specs=[
            pl.BlockSpec((R, D), lambda i: (i, 0)),
            pl.BlockSpec(memory_space=pl.ANY),
        ],
        out_specs=pl.BlockSpec((R, D), lambda i: (i, 0)),
        input_output_aliases={1: 0},
    )(out_sc, partial)


@jax.jit
def _pe_add(x2d, idx1d, pe):
    n = x2d.shape[0]
    pe_pad = jnp.zeros((PEP, D), jnp.bfloat16).at[: pe.shape[0]].set(
        pe.astype(jnp.bfloat16))
    idx3d = idx1d.reshape(n // R, 1, R)
    partial = _pe_add_tc(x2d, idx3d, pe_pad)
    out_sc = _pe_add_sc(x2d, idx1d, pe)
    return _merge(out_sc, partial)


def kernel(x, segment_positions, pe):
    b, s, d = x.shape
    x2d = x.reshape(b * s, d)
    idx1d = segment_positions.reshape(b * s).astype(jnp.int32)
    out = _pe_add(x2d, idx1d, pe.astype(jnp.float32))
    return out.reshape(b, s, d)

# --- scband reference (transcript-rebuilt; emitter-appended) ---
"""Pipeline reference for scband-temporal-positional-encoding-34565896798502 (READ-ONLY COPY).

The authoritative reference and input builder live on the scoring server;
editing this copy changes nothing except your own understanding.
"""

import jax, jax.numpy as jnp
import numpy as np

FEATURE_DIM = 128
MAX_SEGMENTS = 200
BATCH = 4096
NUM_SEGMENTS = 200


def _build_pe(max_segments: int, feature_dim: int) -> np.ndarray:
    pe = np.zeros((max_segments, feature_dim), dtype=np.float32)
    position = np.arange(0, max_segments, dtype=np.float32)[:, None]
    div_term = np.exp(np.arange(0, feature_dim, 2, dtype=np.float32) * (-np.log(10000.0) / feature_dim))
    pe[:, 0::2] = np.sin(position * div_term)
    pe[:, 1::2] = np.cos(position * div_term)
    return pe


def setup_inputs(seed: int = 0) -> dict:
    key = jax.random.key(seed)
    k1, k2 = jax.random.split(key)
    x = jax.random.normal(k1, (BATCH, NUM_SEGMENTS, FEATURE_DIM), dtype=jnp.float32)
    segment_positions = jax.random.randint(k2, (BATCH, NUM_SEGMENTS), 0, MAX_SEGMENTS, dtype=jnp.int64 if jax.config.jax_enable_x64 else jnp.int32)
    pe = jnp.asarray(_build_pe(MAX_SEGMENTS, FEATURE_DIM))
    return {"x": x, "segment_positions": segment_positions, "pe": pe}


def reference(x, segment_positions, pe):
    # Gather positional encodings per (batch, segment) position and add.
    pos_encodings = jnp.take(pe, segment_positions, axis=0)  # [B, S, D]
    return x + pos_encodings

if __name__ == "__main__":
    import jax
    _d = setup_inputs()
    print(jax.jit(kernel)(*tuple(_d.values())))

</pallas_src>

<mosaic_0001>
#map = affine_map<(d0, d1) -> (0, 0)>
#map1 = affine_map<(d0, d1) -> (0)>
module attributes {stable_mosaic.version = 14 : i64} {
  func.func @_sc_body(%arg0: i32, %arg1: i32, %arg2: memref<819200x128xf32, #tpu.memory_space<hbm>>, %arg3: memref<819200xi32, #tpu.memory_space<hbm>>, %arg4: memref<200x128xf32, #tpu.memory_space<hbm>>, %arg5: memref<163840x128xf32, #tpu.memory_space<hbm>>, %arg6: memref<3x256x128xf32, #tpu.memory_space<vmem>>, %arg7: memref<5120xi32, #tpu.memory_space<vmem>>, %arg8: memref<!tpu.dma_semaphore, #tpu.memory_space<semaphore_mem>>, %arg9: memref<!tpu.dma_semaphore, #tpu.memory_space<semaphore_mem>>, %arg10: memref<!tpu.dma_semaphore, #tpu.memory_space<semaphore_mem>>) attributes {dimension_semantics = [#tpu.dimension_semantics<core_parallel>, #tpu.dimension_semantics<subcore_parallel>], iteration_bounds = array<i64: 2, 16>, scalar_prefetch = 0 : i64, scratch_operands = 5 : i64, tpu.core_type = #tpu.core_type<sc_vector_subcore>, window_params = [{transform_indices = #map}, {transform_indices = #map1}, {transform_indices = #map}, {transform_indices = #map}]} {
    %mul3A = arith.constant 2 : i32
    %mul3A_0 = arith.muli %arg1, %mul3A : i32
    %add3A = arith.addi %mul3A_0, %arg0 : i32
    %mul3A_1 = arith.constant 5120 : i32
    %mul3A_2 = arith.muli %add3A, %mul3A_1 : i32
    "tpu.region"() ({
      %run_scoped3A = tpu.sem_alloc : memref<!tpu.dma_semaphore, #tpu.memory_space<semaphore_mem>>
      %dma_start3A_309 = tpu.memref_slice %arg3[%mul3A_2] : memref<819200xi32, #tpu.memory_space<hbm>> -> memref<5120xi32, #tpu.memory_space<hbm>>
      %dma_start3A_310 = tpu.memref_slice %arg3[%mul3A_2] : memref<819200xi32, #tpu.memory_space<hbm>> -> memref<5120xi32, #tpu.memory_space<hbm>>
      tpu.enqueue_dma source(%dma_start3A_310 : memref<5120xi32, #tpu.memory_space<hbm>>) target(%arg7 : memref<5120xi32, #tpu.memory_space<vmem>>) target_semaphore(%run_scoped3A : memref<!tpu.dma_semaphore, #tpu.memory_space<semaphore_mem>>)
      %dma_wait3A_311 = tpu.memref_slice %arg3[%mul3A_2] : memref<819200xi32, #tpu.memory_space<hbm>> -> memref<5120xi32, #tpu.memory_space<hbm>>
      %dma_wait3A_312 = tpu.memref_slice %arg3[%mul3A_2] : memref<819200xi32, #tpu.memory_space<hbm>> -> memref<5120xi32, #tpu.memory_space<hbm>>
      tpu.wait_dma2 semaphore(%run_scoped3A : memref<!tpu.dma_semaphore, #tpu.memory_space<semaphore_mem>>) src(%dma_wait3A_312 : memref<5120xi32, #tpu.memory_space<hbm>>) dst(%arg7 : memref<5120xi32, #tpu.memory_space<vmem>>)
      tpu.yield
    }) : () -> ()
    %rem3A = arith.constant 0 : i32
    %rem3A_3 = arith.constant 3 : i32
    %rem3A_4 = arith.remsi %rem3A, %rem3A_3 : i32
    %add3A_5 = arith.constant 0 : i32
    %add3A_6 = arith.addi %mul3A_2, %add3A_5 : i32
    %dma_start3A = arith.constant 0 : i32
    %dma_start3A_7 = arith.constant 0 : i32
    %dma_start3A_8 = tpu.memref_slice %arg6[%rem3A_4, %dma_start3A, %dma_start3A_7] : memref<3x256x128xf32, #tpu.memory_space<vmem>> -> memref<1x256x128xf32, #tpu.memory_space<vmem>>
    %dma_start3A_9 = tpu.memref_squeeze %dma_start3A_8 : memref<1x256x128xf32, #tpu.memory_space<vmem>> -> memref<256x128xf32, #tpu.memory_space<vmem>>
    %dma_start3A_10 = arith.constant 0 : i32
    %dma_start3A_11 = tpu.memref_slice %arg2[%add3A_6, %dma_start3A_10] : memref<819200x128xf32, #tpu.memory_space<hbm>> -> memref<256x128xf32, #tpu.memory_space<hbm>>
    %dma_start3A_12 = arith.constant 0 : i32
    %dma_start3A_13 = arith.constant 0 : i32
    %dma_start3A_14 = tpu.memref_slice %arg6[%rem3A_4, %dma_start3A_12, %dma_start3A_13] : memref<3x256x128xf32, #tpu.memory_space<vmem>> -> memref<1x256x128xf32, #tpu.memory_space<vmem>>
    %dma_start3A_15 = tpu.memref_squeeze %dma_start3A_14 : memref<1x256x128xf32, #tpu.memory_space<vmem>> -> memref<256x128xf32, #tpu.memory_space<vmem>>
    %dma_start3A_16 = arith.constant 0 : i32
    %dma_start3A_17 = tpu.memref_slice %arg2[%add3A_6, %dma_start3A_16] : memref<819200x128xf32, #tpu.memory_space<hbm>> -> memref<256x128xf32, #tpu.memory_space<hbm>>
    tpu.enqueue_dma source(%dma_start3A_17 : memref<256x128xf32, #tpu.memory_space<hbm>>) target(%dma_start3A_15 : memref<256x128xf32, #tpu.memory_space<vmem>>) target_semaphore(%arg8 : memref<!tpu.dma_semaphore, #tpu.memory_space<semaphore_mem>>)
    %dma_wait3A = arith.constant 0 : i32
    %dma_wait3A_18 = arith.constant 0 : i32
    %dma_wait3A_19 = tpu.memref_slice %arg6[%rem3A_4, %dma_wait3A, %dma_wait3A_18] : memref<3x256x128xf32, #tpu.memory_space<vmem>> -> memref<1x256x128xf32, #tpu.memory_space<vmem>>
    %dma_wait3A_20 = tpu.memref_squeeze %dma_wait3A_19 : memref<1x256x128xf32, #tpu.memory_space<vmem>> -> memref<256x128xf32, #tpu.memory_space<vmem>>
    %dma_wait3A_21 = arith.constant 0 : i32
    %dma_wait3A_22 = tpu.memref_slice %arg2[%add3A_6, %dma_wait3A_21] : memref<819200x128xf32, #tpu.memory_space<hbm>> -> memref<256x128xf32, #tpu.memory_space<hbm>>
    %dma_wait3A_23 = arith.constant 0 : i32
    %dma_wait3A_24 = arith.constant 0 : i32
    %dma_wait3A_25 = tpu.memref_slice %arg6[%rem3A_4, %dma_wait3A_23, %dma_wait3A_24] : memref<3x256x128xf32, #tpu.memory_space<vmem>> -> memref<1x256x128xf32, #tpu.memory_space<vmem>>
    %dma_wait3A_26 = tpu.memref_squeeze %dma_wait3A_25 : memref<1x256x128xf32, #tpu.memory_space<vmem>> -> memref<256x128xf32, #tpu.memory_space<vmem>>
    %dma_wait3A_27 = arith.constant 0 : i32
    %dma_wait3A_28 = tpu.memref_slice %arg2[%add3A_6, %dma_wait3A_27] : memref<819200x128xf32, #tpu.memory_space<hbm>> -> memref<256x128xf32, #tpu.memory_space<hbm>>
    tpu.wait_dma2 semaphore(%arg8 : memref<!tpu.dma_semaphore, #tpu.memory_space<semaphore_mem>>) src(%dma_wait3A_28 : memref<256x128xf32, #tpu.memory_space<hbm>>) dst(%dma_wait3A_26 : memref<256x128xf32, #tpu.memory_space<vmem>>)
    %rem3A_29 = arith.constant 0 : i32
    %rem3A_30 = arith.constant 3 : i32
    %rem3A_31 = arith.remsi %rem3A_29, %rem3A_30 : i32
    %dma_start3A_32 = arith.constant 0 : i32
    %dma_start3A_33 = arith.constant 0 : i32
    %dma_start3A_34 = tpu.memref_slice %arg6[%rem3A_31, %dma_start3A_32, %dma_start3A_33] : memref<3x256x128xf32, #tpu.memory_space<vmem>> -> memref<1x128x128xf32, #tpu.memory_space<vmem>>
    %dma_start3A_35 = tpu.memref_squeeze %dma_start3A_34 : memref<1x128x128xf32, #tpu.memory_space<vmem>> -> memref<128x128xf32, #tpu.memory_space<vmem>>
    %dma_start3A_36 = arith.constant 0 : i32
    %dma_start3A_37 = tpu.memref_slice %arg7[%dma_start3A_36] : memref<5120xi32, #tpu.memory_space<vmem>> -> memref<128xi32, #tpu.memory_space<vmem>>
    %dma_start3A_38 = arith.constant 0 : i32
    %dma_start3A_39 = arith.constant 0 : i32
    %dma_start3A_40 = tpu.memref_slice %arg4[%dma_start3A_38, %dma_start3A_39] : memref<200x128xf32, #tpu.memory_space<hbm>> -> memref<200x128xf32, #tpu.memory_space<hbm>>
    tpu.enqueue_indirect_dma source(%dma_start3A_40 : memref<200x128xf32, #tpu.memory_space<hbm>>) target(%dma_start3A_35 : memref<128x128xf32, #tpu.memory_space<vmem>>) offsets(%dma_start3A_37 : memref<128xi32, #tpu.memory_space<vmem>>) semaphore(%arg9 : memref<!tpu.dma_semaphore, #tpu.memory_space<semaphore_mem>>) {add = true}
    %dma_start3A_41 = arith.constant 128 : i32
    %dma_start3A_42 = arith.constant 0 : i32
    %dma_start3A_43 = tpu.memref_slice %arg6[%rem3A_31, %dma_start3A_41, %dma_start3A_42] : memref<3x256x128xf32, #tpu.memory_space<vmem>> -> memref<1x128x128xf32, #tpu.memory_space<vmem>>
    %dma_start3A_44 = tpu.memref_squeeze %dma_start3A_43 : memref<1x128x128xf32, #tpu.memory_space<vmem>> -> memref<128x128xf32, #tpu.memory_space<vmem>>
    %dma_start3A_45 = arith.constant 128 : i32
    %dma_start3A_46 = tpu.memref_slice %arg7[%dma_start3A_45] : memref<5120xi32, #tpu.memory_space<vmem>> -> memref<128xi32, #tpu.memory_space<vmem>>
    %dma_start3A_47 = arith.constant 0 : i32
    %dma_start3A_48 = arith.constant 0 : i32
    %dma_start3A_49 = tpu.memref_slice %arg4[%dma_start3A_47, %dma_start3A_48] : memref<200x128xf32, #tpu.memory_space<hbm>> -> memref<200x128xf32, #tpu.memory_space<hbm>>
    tpu.enqueue_indirect_dma source(%dma_start3A_49 : memref<200x128xf32, #tpu.memory_space<hbm>>) target(%dma_start3A_44 : memref<128x128xf32, #tpu.memory_space<vmem>>) offsets(%dma_start3A_46 : memref<128xi32, #tpu.memory_space<vmem>>) semaphore(%arg9 : memref<!tpu.dma_semaphore, #tpu.memory_space<semaphore_mem>>) {add = true}
    %rem3A_50 = arith.constant 1 : i32
    %rem3A_51 = arith.constant 3 : i32
    %rem3A_52 = arith.remsi %rem3A_50, %rem3A_51 : i32
    %add3A_53 = arith.constant 256 : i32
    %add3A_54 = arith.addi %mul3A_2, %add3A_53 : i32
    %dma_start3A_55 = arith.constant 0 : i32
    %dma_start3A_56 = arith.constant 0 : i32
    %dma_start3A_57 = tpu.memref_slice %arg6[%rem3A_52, %dma_start3A_55, %dma_start3A_56] : memref<3x256x128xf32, #tpu.memory_space<vmem>> -> memref<1x256x128xf32, #tpu.memory_space<vmem>>
    %dma_start3A_58 = tpu.memref_squeeze %dma_start3A_57 : memref<1x256x128xf32, #tpu.memory_space<vmem>> -> memref<256x128xf32, #tpu.memory_space<vmem>>
    %dma_start3A_59 = arith.constant 0 : i32
    %dma_start3A_60 = tpu.memref_slice %arg2[%add3A_54, %dma_start3A_59] : memref<819200x128xf32, #tpu.memory_space<hbm>> -> memref<256x128xf32, #tpu.memory_space<hbm>>
    %dma_start3A_61 = arith.constant 0 : i32
    %dma_start3A_62 = arith.constant 0 : i32
    %dma_start3A_63 = tpu.memref_slice %arg6[%rem3A_52, %dma_start3A_61, %dma_start3A_62] : memref<3x256x128xf32, #tpu.memory_space<vmem>> -> memref<1x256x128xf32, #tpu.memory_space<vmem>>
    %dma_start3A_64 = tpu.memref_squeeze %dma_start3A_63 : memref<1x256x128xf32, #tpu.memory_space<vmem>> -> memref<256x128xf32, #tpu.memory_space<vmem>>
    %dma_start3A_65 = arith.constant 0 : i32
    %dma_start3A_66 = tpu.memref_slice %arg2[%add3A_54, %dma_start3A_65] : memref<819200x128xf32, #tpu.memory_space<hbm>> -> memref<256x128xf32, #tpu.memory_space<hbm>>
    tpu.enqueue_dma source(%dma_start3A_66 : memref<256x128xf32, #tpu.memory_space<hbm>>) target(%dma_start3A_64 : memref<256x128xf32, #tpu.memory_space<vmem>>) target_semaphore(%arg8 : memref<!tpu.dma_semaphore, #tpu.memory_space<semaphore_mem>>)
    %rem3A_67 = arith.constant 0 : i32
    %rem3A_68 = arith.constant 3 : i32
    %rem3A_69 = arith.remsi %rem3A_67, %rem3A_68 : i32
    %dma_wait3A_70 = arith.constant 0 : i32
    %dma_wait3A_71 = arith.constant 0 : i32
    %dma_wait3A_72 = tpu.memref_slice %arg6[%rem3A_69, %dma_wait3A_70, %dma_wait3A_71] : memref<3x256x128xf32, #tpu.memory_space<vmem>> -> memref<1x128x128xf32, #tpu.memory_space<vmem>>
    %dma_wait3A_73 = tpu.memref_squeeze %dma_wait3A_72 : memref<1x128x128xf32, #tpu.memory_space<vmem>> -> memref<128x128xf32, #tpu.memory_space<vmem>>
    %dma_wait3A_74 = arith.constant 0 : i32
    %dma_wait3A_75 = tpu.memref_slice %arg7[%dma_wait3A_74] : memref<5120xi32, #tpu.memory_space<vmem>> -> memref<128xi32, #tpu.memory_space<vmem>>
    %dma_wait3A_76 = arith.constant 0 : i32
    %dma_wait3A_77 = arith.constant 0 : i32
    %dma_wait3A_78 = tpu.memref_slice %arg4[%dma_wait3A_76, %dma_wait3A_77] : memref<200x128xf32, #tpu.memory_space<hbm>> -> memref<200x128xf32, #tpu.memory_space<hbm>>
    tpu.wait_indirect_dma semaphore(%arg9 : memref<!tpu.dma_semaphore, #tpu.memory_space<semaphore_mem>>) src(%dma_wait3A_78 : memref<200x128xf32, #tpu.memory_space<hbm>>) dst(%dma_wait3A_73 : memref<128x128xf32, #tpu.memory_space<vmem>>)
    %dma_wait3A_79 = arith.constant 128 : i32
    %dma_wait3A_80 = arith.constant 0 : i32
    %dma_wait3A_81 = tpu.memref_slice %arg6[%rem3A_69, %dma_wait3A_79, %dma_wait3A_80] : memref<3x256x128xf32, #tpu.memory_space<vmem>> -> memref<1x128x128xf32, #tpu.memory_space<vmem>>
    %dma_wait3A_82 = tpu.memref_squeeze %dma_wait3A_81 : memref<1x128x128xf32, #tpu.memory_space<vmem>> -> memref<128x128xf32, #tpu.memory_space<vmem>>
    %dma_wait3A_83 = arith.constant 128 : i32
    %dma_wait3A_84 = tpu.memref_slice %arg7[%dma_wait3A_83] : memref<5120xi32, #tpu.memory_space<vmem>> -> memref<128xi32, #tpu.memory_space<vmem>>
    %dma_wait3A_85 = arith.constant 0 : i32
    %dma_wait3A_86 = arith.constant 0 : i32
    %dma_wait3A_87 = tpu.memref_slice %arg4[%dma_wait3A_85, %dma_wait3A_86] : memref<200x128xf32, #tpu.memory_space<hbm>> -> memref<200x128xf32, #tpu.memory_space<hbm>>
    tpu.wait_indirect_dma semaphore(%arg9 : memref<!tpu.dma_semaphore, #tpu.memory_space<semaphore_mem>>) src(%dma_wait3A_87 : memref<200x128xf32, #tpu.memory_space<hbm>>) dst(%dma_wait3A_82 : memref<128x128xf32, #tpu.memory_space<vmem>>)
    %rem3A_88 = arith.constant 0 : i32
    %rem3A_89 = arith.constant 3 : i32
    %rem3A_90 = arith.remsi %rem3A_88, %rem3A_89 : i32
    %add3A_91 = arith.constant 0 : i32
    %add3A_92 = arith.addi %mul3A_2, %add3A_91 : i32
    %dma_start3A_93 = arith.constant 0 : i32
    %dma_start3A_94 = arith.constant 0 : i32
    %dma_start3A_95 = tpu.memref_slice %arg6[%rem3A_90, %dma_start3A_93, %dma_start3A_94] : memref<3x256x128xf32, #tpu.memory_space<vmem>> -> memref<1x256x128xf32, #tpu.memory_space<vmem>>
    %dma_start3A_96 = tpu.memref_squeeze %dma_start3A_95 : memref<1x256x128xf32, #tpu.memory_space<vmem>> -> memref<256x128xf32, #tpu.memory_space<vmem>>
    %dma_start3A_97 = arith.constant 0 : i32
    %dma_start3A_98 = tpu.memref_slice %arg5[%add3A_92, %dma_start3A_97] : memref<163840x128xf32, #tpu.memory_space<hbm>> -> memref<256x128xf32, #tpu.memory_space<hbm>>
    %dma_start3A_99 = arith.constant 0 : i32
    %dma_start3A_100 = tpu.memref_slice %arg5[%add3A_92, %dma_start3A_99] : memref<163840x128xf32, #tpu.memory_space<hbm>> -> memref<256x128xf32, #tpu.memory_space<hbm>>
    %dma_start3A_101 = arith.constant 0 : i32
    %dma_start3A_102 = arith.constant 0 : i32
    %dma_start3A_103 = tpu.memref_slice %arg6[%rem3A_90, %dma_start3A_101, %dma_start3A_102] : memref<3x256x128xf32, #tpu.memory_space<vmem>> -> memref<1x256x128xf32, #tpu.memory_space<vmem>>
    %dma_start3A_104 = tpu.memref_squeeze %dma_start3A_103 : memref<1x256x128xf32, #tpu.memory_space<vmem>> -> memref<256x128xf32, #tpu.memory_space<vmem>>
    tpu.enqueue_dma source(%dma_start3A_104 : memref<256x128xf32, #tpu.memory_space<vmem>>) target(%dma_start3A_100 : memref<256x128xf32, #tpu.memory_space<hbm>>) target_semaphore(%arg10 : memref<!tpu.dma_semaphore, #tpu.memory_space<semaphore_mem>>)
    %dma_wait3A_105 = arith.constant 0 : i32
    %dma_wait3A_106 = arith.constant 0 : i32
    %dma_wait3A_107 = tpu.memref_slice %arg6[%rem3A_52, %dma_wait3A_105, %dma_wait3A_106] : memref<3x256x128xf32, #tpu.memory_space<vmem>> -> memref<1x256x128xf32, #tpu.memory_space<vmem>>
    %dma_wait3A_108 = tpu.memref_squeeze %dma_wait3A_107 : memref<1x256x128xf32, #tpu.memory_space<vmem>> -> memref<256x128xf32, #tpu.memory_space<vmem>>
    %dma_wait3A_109 = arith.constant 0 : i32
    %dma_wait3A_110 = tpu.memref_slice %arg2[%add3A_54, %dma_wait3A_109] : memref<819200x128xf32, #tpu.memory_space<hbm>> -> memref<256x128xf32, #tpu.memory_space<hbm>>
    %dma_wait3A_111 = arith.constant 0 : i32
    %dma_wait3A_112 = arith.constant 0 : i32
    %dma_wait3A_113 = tpu.memref_slice %arg6[%rem3A_52, %dma_wait3A_111, %dma_wait3A_112] : memref<3x256x128xf32, #tpu.memory_space<vmem>> -> memref<1x256x128xf32, #tpu.memory_space<vmem>>
    %dma_wait3A_114 = tpu.memref_squeeze %dma_wait3A_113 : memref<1x256x128xf32, #tpu.memory_space<vmem>> -> memref<256x128xf32, #tpu.memory_space<vmem>>
    %dma_wait3A_115 = arith.constant 0 : i32
    %dma_wait3A_116 = tpu.memref_slice %arg2[%add3A_54, %dma_wait3A_115] : memref<819200x128xf32, #tpu.memory_space<hbm>> -> memref<256x128xf32, #tpu.memory_space<hbm>>
    tpu.wait_dma2 semaphore(%arg8 : memref<!tpu.dma_semaphore, #tpu.memory_space<semaphore_mem>>) src(%dma_wait3A_116 : memref<256x128xf32, #tpu.memory_space<hbm>>) dst(%dma_wait3A_114 : memref<256x128xf32, #tpu.memory_space<vmem>>)
    %rem3A_117 = arith.constant 1 : i32
    %rem3A_118 = arith.constant 3 : i32
    %rem3A_119 = arith.remsi %rem3A_117, %rem3A_118 : i32
    %dma_start3A_120 = arith.constant 0 : i32
    %dma_start3A_121 = arith.constant 0 : i32
    %dma_start3A_122 = tpu.memref_slice %arg6[%rem3A_119, %dma_start3A_120, %dma_start3A_121] : memref<3x256x128xf32, #tpu.memory_space<vmem>> -> memref<1x128x128xf32, #tpu.memory_space<vmem>>
    %dma_start3A_123 = tpu.memref_squeeze %dma_start3A_122 : memref<1x128x128xf32, #tpu.memory_space<vmem>> -> memref<128x128xf32, #tpu.memory_space<vmem>>
    %dma_start3A_124 = arith.constant 256 : i32
    %dma_start3A_125 = tpu.memref_slice %arg7[%dma_start3A_124] : memref<5120xi32, #tpu.memory_space<vmem>> -> memref<128xi32, #tpu.memory_space<vmem>>
    %dma_start3A_126 = arith.constant 0 : i32
    %dma_start3A_127 = arith.constant 0 : i32
    %dma_start3A_128 = tpu.memref_slice %arg4[%dma_start3A_126, %dma_start3A_127] : memref<200x128xf32, #tpu.memory_space<hbm>> -> memref<200x128xf32, #tpu.memory_space<hbm>>
    tpu.enqueue_indirect_dma source(%dma_start3A_128 : memref<200x128xf32, #tpu.memory_space<hbm>>) target(%dma_start3A_123 : memref<128x128xf32, #tpu.memory_space<vmem>>) offsets(%dma_start3A_125 : memref<128xi32, #tpu.memory_space<vmem>>) semaphore(%arg9 : memref<!tpu.dma_semaphore, #tpu.memory_space<semaphore_mem>>) {add = true}
    %dma_start3A_129 = arith.constant 128 : i32
    %dma_start3A_130 = arith.constant 0 : i32
    %dma_start3A_131 = tpu.memref_slice %arg6[%rem3A_119, %dma_start3A_129, %dma_start3A_130] : memref<3x256x128xf32, #tpu.memory_space<vmem>> -> memref<1x128x128xf32, #tpu.memory_space<vmem>>
    %dma_start3A_132 = tpu.memref_squeeze %dma_start3A_131 : memref<1x128x128xf32, #tpu.memory_space<vmem>> -> memref<128x128xf32, #tpu.memory_space<vmem>>
    %dma_start3A_133 = arith.constant 384 : i32
    %dma_start3A_134 = tpu.memref_slice %arg7[%dma_start3A_133] : memref<5120xi32, #tpu.memory_space<vmem>> -> memref<128xi32, #tpu.memory_space<vmem>>
    %dma_start3A_135 = arith.constant 0 : i32
    %dma_start3A_136 = arith.constant 0 : i32
    %dma_start3A_137 = tpu.memref_slice %arg4[%dma_start3A_135, %dma_start3A_136] : memref<200x128xf32, #tpu.memory_space<hbm>> -> memref<200x128xf32, #tpu.memory_space<hbm>>
    tpu.enqueue_indirect_dma source(%dma_start3A_137 : memref<200x128xf32, #tpu.memory_space<hbm>>) target(%dma_start3A_132 : memref<128x128xf32, #tpu.memory_space<vmem>>) offsets(%dma_start3A_134 : memref<128xi32, #tpu.memory_space<vmem>>) semaphore(%arg9 : memref<!tpu.dma_semaphore, #tpu.memory_space<semaphore_mem>>) {add = true}
    %dma_wait3A_138 = arith.constant 0 : i32
    %dma_wait3A_139 = arith.constant 0 : i32
    %dma_wait3A_140 = tpu.memref_slice %arg6[%rem3A_90, %dma_wait3A_138, %dma_wait3A_139] : memref<3x256x128xf32, #tpu.memory_space<vmem>> -> memref<1x256x128xf32, #tpu.memory_space<vmem>>
    %dma_wait3A_141 = tpu.memref_squeeze %dma_wait3A_140 : memref<1x256x128xf32, #tpu.memory_space<vmem>> -> memref<256x128xf32, #tpu.memory_space<vmem>>
    %dma_wait3A_142 = arith.constant 0 : i32
    %dma_wait3A_143 = tpu.memref_slice %arg5[%add3A_92, %dma_wait3A_142] : memref<163840x128xf32, #tpu.memory_space<hbm>> -> memref<256x128xf32, #tpu.memory_space<hbm>>
    %dma_wait3A_144 = arith.constant 0 : i32
    %dma_wait3A_145 = tpu.memref_slice %arg5[%add3A_92, %dma_wait3A_144] : memref<163840x128xf32, #tpu.memory_space<hbm>> -> memref<256x128xf32, #tpu.memory_space<hbm>>
    %dma_wait3A_146 = arith.constant 0 : i32
    %dma_wait3A_147 = arith.constant 0 : i32
    %dma_wait3A_148 = tpu.memref_slice %arg6[%rem3A_90, %dma_wait3A_146, %dma_wait3A_147] : memref<3x256x128xf32, #tpu.memory_space<vmem>> -> memref<1x256x128xf32, #tpu.memory_space<vmem>>
    %dma_wait3A_149 = tpu.memref_squeeze %dma_wait3A_148 : memref<1x256x128xf32, #tpu.memory_space<vmem>> -> memref<256x128xf32, #tpu.memory_space<vmem>>
    tpu.wait_dma2 semaphore(%arg10 : memref<!tpu.dma_semaphore, #tpu.memory_space<semaphore_mem>>) src(%dma_wait3A_149 : memref<256x128xf32, #tpu.memory_space<vmem>>) dst(%dma_wait3A_145 : memref<256x128xf32, #tpu.memory_space<hbm>>)
    %rem3A_150 = arith.constant 2 : i32
    %rem3A_151 = arith.constant 3 : i32
    %rem3A_152 = arith.remsi %rem3A_150, %rem3A_151 : i32
    %add3A_153 = arith.constant 512 : i32
    %add3A_154 = arith.addi %mul3A_2, %add3A_153 : i32
    %dma_start3A_155 = arith.constant 0 : i32
    %dma_start3A_156 = arith.constant 0 : i32
    %dma_start3A_157 = tpu.memref_slice %arg6[%rem3A_152, %dma_start3A_155, %dma_start3A_156] : memref<3x256x128xf32, #tpu.memory_space<vmem>> -> memref<1x256x128xf32, #tpu.memory_space<vmem>>
    %dma_start3A_158 = tpu.memref_squeeze %dma_start3A_157 : memref<1x256x128xf32, #tpu.memory_space<vmem>> -> memref<256x128xf32, #tpu.memory_space<vmem>>
    %dma_start3A_159 = arith.constant 0 : i32
    %dma_start3A_160 = tpu.memref_slice %arg2[%add3A_154, %dma_start3A_159] : memref<819200x128xf32, #tpu.memory_space<hbm>> -> memref<256x128xf32, #tpu.memory_space<hbm>>
    %dma_start3A_161 = arith.constant 0 : i32
    %dma_start3A_162 = arith.constant 0 : i32
    %dma_start3A_163 = tpu.memref_slice %arg6[%rem3A_152, %dma_start3A_161, %dma_start3A_162] : memref<3x256x128xf32, #tpu.memory_space<vmem>> -> memref<1x256x128xf32, #tpu.memory_space<vmem>>
    %dma_start3A_164 = tpu.memref_squeeze %dma_start3A_163 : memref<1x256x128xf32, #tpu.memory_space<vmem>> -> memref<256x128xf32, #tpu.memory_space<vmem>>
    %dma_start3A_165 = arith.constant 0 : i32
    %dma_start3A_166 = tpu.memref_slice %arg2[%add3A_154, %dma_start3A_165] : memref<819200x128xf32, #tpu.memory_space<hbm>> -> memref<256x128xf32, #tpu.memory_space<hbm>>
    tpu.enqueue_dma source(%dma_start3A_166 : memref<256x128xf32, #tpu.memory_space<hbm>>) target(%dma_start3A_164 : memref<256x128xf32, #tpu.memory_space<vmem>>) target_semaphore(%arg8 : memref<!tpu.dma_semaphore, #tpu.memory_space<semaphore_mem>>)
    %scan3A = arith.constant 2 : i32
    %scan3A_167 = arith.constant 17 : i32
    %scan3A_168 = arith.addi %scan3A, %scan3A_167 : i32
    %scan3A_169 = arith.constant 1 : i32
    scf.for %scan3A_309 = %scan3A to %scan3A_168 step %scan3A_169  : i32 {
      %sub3A = arith.constant 1 : i32
      %sub3A_310 = arith.subi %scan3A_309, %sub3A : i32
      %rem3A_311 = arith.constant 3 : i32
      %rem3A_312 = arith.remsi %sub3A_310, %rem3A_311 : i32
      %mul3A_313 = arith.constant 256 : i32
      %mul3A_314 = arith.muli %sub3A_310, %mul3A_313 : i32
      %add3A_315 = arith.constant 0 : i32
      %add3A_316 = arith.addi %mul3A_314, %add3A_315 : i32
      %dma_wait3A_317 = arith.constant 0 : i32
      %dma_wait3A_318 = arith.constant 0 : i32
      %dma_wait3A_319 = tpu.memref_slice %arg6[%rem3A_312, %dma_wait3A_317, %dma_wait3A_318] : memref<3x256x128xf32, #tpu.memory_space<vmem>> -> memref<1x128x128xf32, #tpu.memory_space<vmem>>
      %dma_wait3A_320 = tpu.memref_squeeze %dma_wait3A_319 : memref<1x128x128xf32, #tpu.memory_space<vmem>> -> memref<128x128xf32, #tpu.memory_space<vmem>>
      %dma_wait3A_321 = tpu.memref_slice %arg7[%add3A_316] : memref<5120xi32, #tpu.memory_space<vmem>> -> memref<128xi32, #tpu.memory_space<vmem>>
      %dma_wait3A_322 = arith.constant 0 : i32
      %dma_wait3A_323 = arith.constant 0 : i32
      %dma_wait3A_324 = tpu.memref_slice %arg4[%dma_wait3A_322, %dma_wait3A_323] : memref<200x128xf32, #tpu.memory_space<hbm>> -> memref<200x128xf32, #tpu.memory_space<hbm>>
      tpu.wait_indirect_dma semaphore(%arg9 : memref<!tpu.dma_semaphore, #tpu.memory_space<semaphore_mem>>) src(%dma_wait3A_324 : memref<200x128xf32, #tpu.memory_space<hbm>>) dst(%dma_wait3A_320 : memref<128x128xf32, #tpu.memory_space<vmem>>)
      %mul3A_325 = arith.constant 256 : i32
      %mul3A_326 = arith.muli %sub3A_310, %mul3A_325 : i32
      %add3A_327 = arith.constant 128 : i32
      %add3A_328 = arith.addi %mul3A_326, %add3A_327 : i32
      %dma_wait3A_329 = arith.constant 128 : i32
      %dma_wait3A_330 = arith.constant 0 : i32
      %dma_wait3A_331 = tpu.memref_slice %arg6[%rem3A_312, %dma_wait3A_329, %dma_wait3A_330] : memref<3x256x128xf32, #tpu.memory_space<vmem>> -> memref<1x128x128xf32, #tpu.memory_space<vmem>>
      %dma_wait3A_332 = tpu.memref_squeeze %dma_wait3A_331 : memref<1x128x128xf32, #tpu.memory_space<vmem>> -> memref<128x128xf32, #tpu.memory_space<vmem>>
      %dma_wait3A_333 = tpu.memref_slice %arg7[%add3A_328] : memref<5120xi32, #tpu.memory_space<vmem>> -> memref<128xi32, #tpu.memory_space<vmem>>
      %dma_wait3A_334 = arith.constant 0 : i32
      %dma_wait3A_335 = arith.constant 0 : i32
      %dma_wait3A_336 = tpu.memref_slice %arg4[%dma_wait3A_334, %dma_wait3A_335] : memref<200x128xf32, #tpu.memory_space<hbm>> -> memref<200x128xf32, #tpu.memory_space<hbm>>
      tpu.wait_indirect_dma semaphore(%arg9 : memref<!tpu.dma_semaphore, #tpu.memory_space<semaphore_mem>>) src(%dma_wait3A_336 : memref<200x128xf32, #tpu.memory_space<hbm>>) dst(%dma_wait3A_332 : memref<128x128xf32, #tpu.memory_space<vmem>>)
      %sub3A_337 = arith.constant 1 : i32
      %sub3A_338 = arith.subi %scan3A_309, %sub3A_337 : i32
      %rem3A_339 = arith.constant 3 : i32
      %rem3A_340 = arith.remsi %sub3A_338, %rem3A_339 : i32
      %mul3A_341 = arith.constant 256 : i32
      %mul3A_342 = arith.muli %sub3A_338, %mul3A_341 : i32
      %add3A_343 = arith.addi %mul3A_2, %mul3A_342 : i32
      %dma_start3A_344 = arith.constant 0 : i32
      %dma_start3A_345 = arith.constant 0 : i32
      %dma_start3A_346 = tpu.memref_slice %arg6[%rem3A_340, %dma_start3A_344, %dma_start3A_345] : memref<3x256x128xf32, #tpu.memory_space<vmem>> -> memref<1x256x128xf32, #tpu.memory_space<vmem>>
      %dma_start3A_347 = tpu.memref_squeeze %dma_start3A_346 : memref<1x256x128xf32, #tpu.memory_space<vmem>> -> memref<256x128xf32, #tpu.memory_space<vmem>>
      %dma_start3A_348 = arith.constant 0 : i32
      %dma_start3A_349 = tpu.memref_slice %arg5[%add3A_343, %dma_start3A_348] : memref<163840x128xf32, #tpu.memory_space<hbm>> -> memref<256x128xf32, #tpu.memory_space<hbm>>
      %dma_start3A_350 = arith.constant 0 : i32
      %dma_start3A_351 = tpu.memref_slice %arg5[%add3A_343, %dma_start3A_350] : memref<163840x128xf32, #tpu.memory_space<hbm>> -> memref<256x128xf32, #tpu.memory_space<hbm>>
      %dma_start3A_352 = arith.constant 0 : i32
      %dma_start3A_353 = arith.constant 0 : i32
      %dma_start3A_354 = tpu.memref_slice %arg6[%rem3A_340, %dma_start3A_352, %dma_start3A_353] : memref<3x256x128xf32, #tpu.memory_space<vmem>> -> memref<1x256x128xf32, #tpu.memory_space<vmem>>
      %dma_start3A_355 = tpu.memref_squeeze %dma_start3A_354 : memref<1x256x128xf32, #tpu.memory_space<vmem>> -> memref<256x128xf32, #tpu.memory_space<vmem>>
      tpu.enqueue_dma source(%dma_start3A_355 : memref<256x128xf32, #tpu.memory_space<vmem>>) target(%dma_start3A_351 : memref<256x128xf32, #tpu.memory_space<hbm>>) target_semaphore(%arg10 : memref<!tpu.dma_semaphore, #tpu.memory_space<semaphore_mem>>)
      %rem3A_356 = arith.constant 3 : i32
      %rem3A_357 = arith.remsi %scan3A_309, %rem3A_356 : i32
      %mul3A_358 = arith.constant 256 : i32
      %mul3A_359 = arith.muli %scan3A_309, %mul3A_358 : i32
      %add3A_360 = arith.addi %mul3A_2, %mul3A_359 : i32
      %dma_wait3A_361 = arith.constant 0 : i32
      %dma_wait3A_362 = arith.constant 0 : i32
      %dma_wait3A_363 = tpu.memref_slice %arg6[%rem3A_357, %dma_wait3A_361, %dma_wait3A_362] : memref<3x256x128xf32, #tpu.memory_space<vmem>> -> memref<1x256x128xf32, #tpu.memory_space<vmem>>
      %dma_wait3A_364 = tpu.memref_squeeze %dma_wait3A_363 : memref<1x256x128xf32, #tpu.memory_space<vmem>> -> memref<256x128xf32, #tpu.memory_space<vmem>>
      %dma_wait3A_365 = arith.constant 0 : i32
      %dma_wait3A_366 = tpu.memref_slice %arg2[%add3A_360, %dma_wait3A_365] : memref<819200x128xf32, #tpu.memory_space<hbm>> -> memref<256x128xf32, #tpu.memory_space<hbm>>
      %dma_wait3A_367 = arith.constant 0 : i32
      %dma_wait3A_368 = arith.constant 0 : i32
      %dma_wait3A_369 = tpu.memref_slice %arg6[%rem3A_357, %dma_wait3A_367, %dma_wait3A_368] : memref<3x256x128xf32, #tpu.memory_space<vmem>> -> memref<1x256x128xf32, #tpu.memory_space<vmem>>
      %dma_wait3A_370 = tpu.memref_squeeze %dma_wait3A_369 : memref<1x256x128xf32, #tpu.memory_space<vmem>> -> memref<256x128xf32, #tpu.memory_space<vmem>>
      %dma_wait3A_371 = arith.constant 0 : i32
      %dma_wait3A_372 = tpu.memref_slice %arg2[%add3A_360, %dma_wait3A_371] : memref<819200x128xf32, #tpu.memory_space<hbm>> -> memref<256x128xf32, #tpu.memory_space<hbm>>
      tpu.wait_dma2 semaphore(%arg8 : memref<!tpu.dma_semaphore, #tpu.memory_space<semaphore_mem>>) src(%dma_wait3A_372 : memref<256x128xf32, #tpu.memory_space<hbm>>) dst(%dma_wait3A_370 : memref<256x128xf32, #tpu.memory_space<vmem>>)
      %rem3A_373 = arith.constant 3 : i32
      %rem3A_374 = arith.remsi %scan3A_309, %rem3A_373 : i32
      %mul3A_375 = arith.constant 256 : i32
      %mul3A_376 = arith.muli %scan3A_309, %mul3A_375 : i32
      %add3A_377 = arith.constant 0 : i32
      %add3A_378 = arith.addi %mul3A_376, %add3A_377 : i32
      %dma_start3A_379 = arith.constant 0 : i32
      %dma_start3A_380 = arith.constant 0 : i32
      %dma_start3A_381 = tpu.memref_slice %arg6[%rem3A_374, %dma_start3A_379, %dma_start3A_380] : memref<3x256x128xf32, #tpu.memory_space<vmem>> -> memref<1x128x128xf32, #tpu.memory_space<vmem>>
      %dma_start3A_382 = tpu.memref_squeeze %dma_start3A_381 : memref<1x128x128xf32, #tpu.memory_space<vmem>> -> memref<128x128xf32, #tpu.memory_space<vmem>>
      %dma_start3A_383 = tpu.memref_slice %arg7[%add3A_378] : memref<5120xi32, #tpu.memory_space<vmem>> -> memref<128xi32, #tpu.memory_space<vmem>>
      %dma_start3A_384 = arith.constant 0 : i32
      %dma_start3A_385 = arith.constant 0 : i32
      %dma_start3A_386 = tpu.memref_slice %arg4[%dma_start3A_384, %dma_start3A_385] : memref<200x128xf32, #tpu.memory_space<hbm>> -> memref<200x128xf32, #tpu.memory_space<hbm>>
      tpu.enqueue_indirect_dma source(%dma_start3A_386 : memref<200x128xf32, #tpu.memory_space<hbm>>) target(%dma_start3A_382 : memref<128x128xf32, #tpu.memory_space<vmem>>) offsets(%dma_start3A_383 : memref<128xi32, #tpu.memory_space<vmem>>) semaphore(%arg9 : memref<!tpu.dma_semaphore, #tpu.memory_space<semaphore_mem>>) {add = true}
      %mul3A_387 = arith.constant 256 : i32
      %mul3A_388 = arith.muli %scan3A_309, %mul3A_387 : i32
      %add3A_389 = arith.constant 128 : i32
      %add3A_390 = arith.addi %mul3A_388, %add3A_389 : i32
      %dma_start3A_391 = arith.constant 128 : i32
      %dma_start3A_392 = arith.constant 0 : i32
      %dma_start3A_393 = tpu.memref_slice %arg6[%rem3A_374, %dma_start3A_391, %dma_start3A_392] : memref<3x256x128xf32, #tpu.memory_space<vmem>> -> memref<1x128x128xf32, #tpu.memory_space<vmem>>
      %dma_start3A_394 = tpu.memref_squeeze %dma_start3A_393 : memref<1x128x128xf32, #tpu.memory_space<vmem>> -> memref<128x128xf32, #tpu.memory_space<vmem>>
      %dma_start3A_395 = tpu.memref_slice %arg7[%add3A_390] : memref<5120xi32, #tpu.memory_space<vmem>> -> memref<128xi32, #tpu.memory_space<vmem>>
      %dma_start3A_396 = arith.constant 0 : i32
      %dma_start3A_397 = arith.constant 0 : i32
      %dma_start3A_398 = tpu.memref_slice %arg4[%dma_start3A_396, %dma_start3A_397] : memref<200x128xf32, #tpu.memory_space<hbm>> -> memref<200x128xf32, #tpu.memory_space<hbm>>
      tpu.enqueue_indirect_dma source(%dma_start3A_398 : memref<200x128xf32, #tpu.memory_space<hbm>>) target(%dma_start3A_394 : memref<128x128xf32, #tpu.memory_space<vmem>>) offsets(%dma_start3A_395 : memref<128xi32, #tpu.memory_space<vmem>>) semaphore(%arg9 : memref<!tpu.dma_semaphore, #tpu.memory_space<semaphore_mem>>) {add = true}
      %dma_wait3A_399 = arith.constant 0 : i32
      %dma_wait3A_400 = arith.constant 0 : i32
      %dma_wait3A_401 = tpu.memref_slice %arg6[%rem3A_340, %dma_wait3A_399, %dma_wait3A_400] : memref<3x256x128xf32, #tpu.memory_space<vmem>> -> memref<1x256x128xf32, #tpu.memory_space<vmem>>
      %dma_wait3A_402 = tpu.memref_squeeze %dma_wait3A_401 : memref<1x256x128xf32, #tpu.memory_space<vmem>> -> memref<256x128xf32, #tpu.memory_space<vmem>>
      %dma_wait3A_403 = arith.constant 0 : i32
      %dma_wait3A_404 = tpu.memref_slice %arg5[%add3A_343, %dma_wait3A_403] : memref<163840x128xf32, #tpu.memory_space<hbm>> -> memref<256x128xf32, #tpu.memory_space<hbm>>
      %dma_wait3A_405 = arith.constant 0 : i32
      %dma_wait3A_406 = tpu.memref_slice %arg5[%add3A_343, %dma_wait3A_405] : memref<163840x128xf32, #tpu.memory_space<hbm>> -> memref<256x128xf32, #tpu.memory_space<hbm>>
      %dma_wait3A_407 = arith.constant 0 : i32
      %dma_wait3A_408 = arith.constant 0 : i32
      %dma_wait3A_409 = tpu.memref_slice %arg6[%rem3A_340, %dma_wait3A_407, %dma_wait3A_408] : memref<3x256x128xf32, #tpu.memory_space<vmem>> -> memref<1x256x128xf32, #tpu.memory_space<vmem>>
      %dma_wait3A_410 = tpu.memref_squeeze %dma_wait3A_409 : memref<1x256x128xf32, #tpu.memory_space<vmem>> -> memref<256x128xf32, #tpu.memory_space<vmem>>
      tpu.wait_dma2 semaphore(%arg10 : memref<!tpu.dma_semaphore, #tpu.memory_space<semaphore_mem>>) src(%dma_wait3A_410 : memref<256x128xf32, #tpu.memory_space<vmem>>) dst(%dma_wait3A_406 : memref<256x128xf32, #tpu.memory_space<hbm>>)
      %add3A_411 = arith.constant 1 : i32
      %add3A_412 = arith.addi %scan3A_309, %add3A_411 : i32
      %rem3A_413 = arith.constant 3 : i32
      %rem3A_414 = arith.remsi %add3A_412, %rem3A_413 : i32
      %mul3A_415 = arith.constant 256 : i32
      %mul3A_416 = arith.muli %add3A_412, %mul3A_415 : i32
      %add3A_417 = arith.addi %mul3A_2, %mul3A_416 : i32
      %dma_start3A_418 = arith.constant 0 : i32
      %dma_start3A_419 = arith.constant 0 : i32
      %dma_start3A_420 = tpu.memref_slice %arg6[%rem3A_414, %dma_start3A_418, %dma_start3A_419] : memref<3x256x128xf32, #tpu.memory_space<vmem>> -> memref<1x256x128xf32, #tpu.memory_space<vmem>>
      %dma_start3A_421 = tpu.memref_squeeze %dma_start3A_420 : memref<1x256x128xf32, #tpu.memory_space<vmem>> -> memref<256x128xf32, #tpu.memory_space<vmem>>
      %dma_start3A_422 = arith.constant 0 : i32
      %dma_start3A_423 = tpu.memref_slice %arg2[%add3A_417, %dma_start3A_422] : memref<819200x128xf32, #tpu.memory_space<hbm>> -> memref<256x128xf32, #tpu.memory_space<hbm>>
      %dma_start3A_424 = arith.constant 0 : i32
      %dma_start3A_425 = arith.constant 0 : i32
      %dma_start3A_426 = tpu.memref_slice %arg6[%rem3A_414, %dma_start3A_424, %dma_start3A_425] : memref<3x256x128xf32, #tpu.memory_space<vmem>> -> memref<1x256x128xf32, #tpu.memory_space<vmem>>
      %dma_start3A_427 = tpu.memref_squeeze %dma_start3A_426 : memref<1x256x128xf32, #tpu.memory_space<vmem>> -> memref<256x128xf32, #tpu.memory_space<vmem>>
      %dma_start3A_428 = arith.constant 0 : i32
      %dma_start3A_429 = tpu.memref_slice %arg2[%add3A_417, %dma_start3A_428] : memref<819200x128xf32, #tpu.memory_space<hbm>> -> memref<256x128xf32, #tpu.memory_space<hbm>>
      tpu.enqueue_dma source(%dma_start3A_429 : memref<256x128xf32, #tpu.memory_space<hbm>>) target(%dma_start3A_427 : memref<256x128xf32, #tpu.memory_space<vmem>>) target_semaphore(%arg8 : memref<!tpu.dma_semaphore, #tpu.memory_space<semaphore_mem>>)
    }
    %scan3A_170 = arith.constant 17 : i32
    %rem3A_171 = arith.constant 18 : i32
    %rem3A_172 = arith.constant 3 : i32
    %rem3A_173 = arith.remsi %rem3A_171, %rem3A_172 : i32
    %dma_wait3A_174 = arith.constant 0 : i32
    %dma_wait3A_175 = arith.constant 0 : i32
    %dma_wait3A_176 = tpu.memref_slice %arg6[%rem3A_173, %dma_wait3A_174, %dma_wait3A_175] : memref<3x256x128xf32, #tpu.memory_space<vmem>> -> memref<1x128x128xf32, #tpu.memory_space<vmem>>
    %dma_wait3A_177 = tpu.memref_squeeze %dma_wait3A_176 : memref<1x128x128xf32, #tpu.memory_space<vmem>> -> memref<128x128xf32, #tpu.memory_space<vmem>>
    %dma_wait3A_178 = arith.constant 4608 : i32
    %dma_wait3A_179 = tpu.memref_slice %arg7[%dma_wait3A_178] : memref<5120xi32, #tpu.memory_space<vmem>> -> memref<128xi32, #tpu.memory_space<vmem>>
    %dma_wait3A_180 = arith.constant 0 : i32
    %dma_wait3A_181 = arith.constant 0 : i32
    %dma_wait3A_182 = tpu.memref_slice %arg4[%dma_wait3A_180, %dma_wait3A_181] : memref<200x128xf32, #tpu.memory_space<hbm>> -> memref<200x128xf32, #tpu.memory_space<hbm>>
    tpu.wait_indirect_dma semaphore(%arg9 : memref<!tpu.dma_semaphore, #tpu.memory_space<semaphore_mem>>) src(%dma_wait3A_182 : memref<200x128xf32, #tpu.memory_space<hbm>>) dst(%dma_wait3A_177 : memref<128x128xf32, #tpu.memory_space<vmem>>)
    %dma_wait3A_183 = arith.constant 128 : i32
    %dma_wait3A_184 = arith.constant 0 : i32
    %dma_wait3A_185 = tpu.memref_slice %arg6[%rem3A_173, %dma_wait3A_183, %dma_wait3A_184] : memref<3x256x128xf32, #tpu.memory_space<vmem>> -> memref<1x128x128xf32, #tpu.memory_space<vmem>>
    %dma_wait3A_186 = tpu.memref_squeeze %dma_wait3A_185 : memref<1x128x128xf32, #tpu.memory_space<vmem>> -> memref<128x128xf32, #tpu.memory_space<vmem>>
    %dma_wait3A_187 = arith.constant 4736 : i32
    %dma_wait3A_188 = tpu.memref_slice %arg7[%dma_wait3A_187] : memref<5120xi32, #tpu.memory_space<vmem>> -> memref<128xi32, #tpu.memory_space<vmem>>
    %dma_wait3A_189 = arith.constant 0 : i32
    %dma_wait3A_190 = arith.constant 0 : i32
    %dma_wait3A_191 = tpu.memref_slice %arg4[%dma_wait3A_189, %dma_wait3A_190] : memref<200x128xf32, #tpu.memory_space<hbm>> -> memref<200x128xf32, #tpu.memory_space<hbm>>
    tpu.wait_indirect_dma semaphore(%arg9 : memref<!tpu.dma_semaphore, #tpu.memory_space<semaphore_mem>>) src(%dma_wait3A_191 : memref<200x128xf32, #tpu.memory_space<hbm>>) dst(%dma_wait3A_186 : memref<128x128xf32, #tpu.memory_space<vmem>>)
    %rem3A_192 = arith.constant 18 : i32
    %rem3A_193 = arith.constant 3 : i32
    %rem3A_194 = arith.remsi %rem3A_192, %rem3A_193 : i32
    %add3A_195 = arith.constant 4608 : i32
    %add3A_196 = arith.addi %mul3A_2, %add3A_195 : i32
    %dma_start3A_197 = arith.constant 0 : i32
    %dma_start3A_198 = arith.constant 0 : i32
    %dma_start3A_199 = tpu.memref_slice %arg6[%rem3A_194, %dma_start3A_197, %dma_start3A_198] : memref<3x256x128xf32, #tpu.memory_space<vmem>> -> memref<1x256x128xf32, #tpu.memory_space<vmem>>
    %dma_start3A_200 = tpu.memref_squeeze %dma_start3A_199 : memref<1x256x128xf32, #tpu.memory_space<vmem>> -> memref<256x128xf32, #tpu.memory_space<vmem>>
    %dma_start3A_201 = arith.constant 0 : i32
    %dma_start3A_202 = tpu.memref_slice %arg5[%add3A_196, %dma_start3A_201] : memref<163840x128xf32, #tpu.memory_space<hbm>> -> memref<256x128xf32, #tpu.memory_space<hbm>>
    %dma_start3A_203 = arith.constant 0 : i32
    %dma_start3A_204 = tpu.memref_slice %arg5[%add3A_196, %dma_start3A_203] : memref<163840x128xf32, #tpu.memory_space<hbm>> -> memref<256x128xf32, #tpu.memory_space<hbm>>
    %dma_start3A_205 = arith.constant 0 : i32
    %dma_start3A_206 = arith.constant 0 : i32
    %dma_start3A_207 = tpu.memref_slice %arg6[%rem3A_194, %dma_start3A_205, %dma_start3A_206] : memref<3x256x128xf32, #tpu.memory_space<vmem>> -> memref<1x256x128xf32, #tpu.memory_space<vmem>>
    %dma_start3A_208 = tpu.memref_squeeze %dma_start3A_207 : memref<1x256x128xf32, #tpu.memory_space<vmem>> -> memref<256x128xf32, #tpu.memory_space<vmem>>
    tpu.enqueue_dma source(%dma_start3A_208 : memref<256x128xf32, #tpu.memory_space<vmem>>) target(%dma_start3A_204 : memref<256x128xf32, #tpu.memory_space<hbm>>) target_semaphore(%arg10 : memref<!tpu.dma_semaphore, #tpu.memory_space<semaphore_mem>>)
    %rem3A_209 = arith.constant 19 : i32
    %rem3A_210 = arith.constant 3 : i32
    %rem3A_211 = arith.remsi %rem3A_209, %rem3A_210 : i32
    %add3A_212 = arith.constant 4864 : i32
    %add3A_213 = arith.addi %mul3A_2, %add3A_212 : i32
    %dma_wait3A_214 = arith.constant 0 : i32
    %dma_wait3A_215 = arith.constant 0 : i32
    %dma_wait3A_216 = tpu.memref_slice %arg6[%rem3A_211, %dma_wait3A_214, %dma_wait3A_215] : memref<3x256x128xf32, #tpu.memory_space<vmem>> -> memref<1x256x128xf32, #tpu.memory_space<vmem>>
    %dma_wait3A_217 = tpu.memref_squeeze %dma_wait3A_216 : memref<1x256x128xf32, #tpu.memory_space<vmem>> -> memref<256x128xf32, #tpu.memory_space<vmem>>
    %dma_wait3A_218 = arith.constant 0 : i32
    %dma_wait3A_219 = tpu.memref_slice %arg2[%add3A_213, %dma_wait3A_218] : memref<819200x128xf32, #tpu.memory_space<hbm>> -> memref<256x128xf32, #tpu.memory_space<hbm>>
    %dma_wait3A_220 = arith.constant 0 : i32
    %dma_wait3A_221 = arith.constant 0 : i32
    %dma_wait3A_222 = tpu.memref_slice %arg6[%rem3A_211, %dma_wait3A_220, %dma_wait3A_221] : memref<3x256x128xf32, #tpu.memory_space<vmem>> -> memref<1x256x128xf32, #tpu.memory_space<vmem>>
    %dma_wait3A_223 = tpu.memref_squeeze %dma_wait3A_222 : memref<1x256x128xf32, #tpu.memory_space<vmem>> -> memref<256x128xf32, #tpu.memory_space<vmem>>
    %dma_wait3A_224 = arith.constant 0 : i32
    %dma_wait3A_225 = tpu.memref_slice %arg2[%add3A_213, %dma_wait3A_224] : memref<819200x128xf32, #tpu.memory_space<hbm>> -> memref<256x128xf32, #tpu.memory_space<hbm>>
    tpu.wait_dma2 semaphore(%arg8 : memref<!tpu.dma_semaphore, #tpu.memory_space<semaphore_mem>>) src(%dma_wait3A_225 : memref<256x128xf32, #tpu.memory_space<hbm>>) dst(%dma_wait3A_223 : memref<256x128xf32, #tpu.memory_space<vmem>>)
    %rem3A_226 = arith.constant 19 : i32
    %rem3A_227 = arith.constant 3 : i32
    %rem3A_228 = arith.remsi %rem3A_226, %rem3A_227 : i32
    %dma_start3A_229 = arith.constant 0 : i32
    %dma_start3A_230 = arith.constant 0 : i32
    %dma_start3A_231 = tpu.memref_slice %arg6[%rem3A_228, %dma_start3A_229, %dma_start3A_230] : memref<3x256x128xf32, #tpu.memory_space<vmem>> -> memref<1x128x128xf32, #tpu.memory_space<vmem>>
    %dma_start3A_232 = tpu.memref_squeeze %dma_start3A_231 : memref<1x128x128xf32, #tpu.memory_space<vmem>> -> memref<128x128xf32, #tpu.memory_space<vmem>>
    %dma_start3A_233 = arith.constant 4864 : i32
    %dma_start3A_234 = tpu.memref_slice %arg7[%dma_start3A_233] : memref<5120xi32, #tpu.memory_space<vmem>> -> memref<128xi32, #tpu.memory_space<vmem>>
    %dma_start3A_235 = arith.constant 0 : i32
    %dma_start3A_236 = arith.constant 0 : i32
    %dma_start3A_237 = tpu.memref_slice %arg4[%dma_start3A_235, %dma_start3A_236] : memref<200x128xf32, #tpu.memory_space<hbm>> -> memref<200x128xf32, #tpu.memory_space<hbm>>
    tpu.enqueue_indirect_dma source(%dma_start3A_237 : memref<200x128xf32, #tpu.memory_space<hbm>>) target(%dma_start3A_232 : memref<128x128xf32, #tpu.memory_space<vmem>>) offsets(%dma_start3A_234 : memref<128xi32, #tpu.memory_space<vmem>>) semaphore(%arg9 : memref<!tpu.dma_semaphore, #tpu.memory_space<semaphore_mem>>) {add = true}
    %dma_start3A_238 = arith.constant 128 : i32
    %dma_start3A_239 = arith.constant 0 : i32
    %dma_start3A_240 = tpu.memref_slice %arg6[%rem3A_228, %dma_start3A_238, %dma_start3A_239] : memref<3x256x128xf32, #tpu.memory_space<vmem>> -> memref<1x128x128xf32, #tpu.memory_space<vmem>>
    %dma_start3A_241 = tpu.memref_squeeze %dma_start3A_240 : memref<1x128x128xf32, #tpu.memory_space<vmem>> -> memref<128x128xf32, #tpu.memory_space<vmem>>
    %dma_start3A_242 = arith.constant 4992 : i32
    %dma_start3A_243 = tpu.memref_slice %arg7[%dma_start3A_242] : memref<5120xi32, #tpu.memory_space<vmem>> -> memref<128xi32, #tpu.memory_space<vmem>>
    %dma_start3A_244 = arith.constant 0 : i32
    %dma_start3A_245 = arith.constant 0 : i32
    %dma_start3A_246 = tpu.memref_slice %arg4[%dma_start3A_244, %dma_start3A_245] : memref<200x128xf32, #tpu.memory_space<hbm>> -> memref<200x128xf32, #tpu.memory_space<hbm>>
    tpu.enqueue_indirect_dma source(%dma_start3A_246 : memref<200x128xf32, #tpu.memory_space<hbm>>) target(%dma_start3A_241 : memref<128x128xf32, #tpu.memory_space<vmem>>) offsets(%dma_start3A_243 : memref<128xi32, #tpu.memory_space<vmem>>) semaphore(%arg9 : memref<!tpu.dma_semaphore, #tpu.memory_space<semaphore_mem>>) {add = true}
    %dma_wait3A_247 = arith.constant 0 : i32
    %dma_wait3A_248 = arith.constant 0 : i32
    %dma_wait3A_249 = tpu.memref_slice %arg6[%rem3A_194, %dma_wait3A_247, %dma_wait3A_248] : memref<3x256x128xf32, #tpu.memory_space<vmem>> -> memref<1x256x128xf32, #tpu.memory_space<vmem>>
    %dma_wait3A_250 = tpu.memref_squeeze %dma_wait3A_249 : memref<1x256x128xf32, #tpu.memory_space<vmem>> -> memref<256x128xf32, #tpu.memory_space<vmem>>
    %dma_wait3A_251 = arith.constant 0 : i32
    %dma_wait3A_252 = tpu.memref_slice %arg5[%add3A_196, %dma_wait3A_251] : memref<163840x128xf32, #tpu.memory_space<hbm>> -> memref<256x128xf32, #tpu.memory_space<hbm>>
    %dma_wait3A_253 = arith.constant 0 : i32
    %dma_wait3A_254 = tpu.memref_slice %arg5[%add3A_196, %dma_wait3A_253] : memref<163840x128xf32, #tpu.memory_space<hbm>> -> memref<256x128xf32, #tpu.memory_space<hbm>>
    %dma_wait3A_255 = arith.constant 0 : i32
    %dma_wait3A_256 = arith.constant 0 : i32
    %dma_wait3A_257 = tpu.memref_slice %arg6[%rem3A_194, %dma_wait3A_255, %dma_wait3A_256] : memref<3x256x128xf32, #tpu.memory_space<vmem>> -> memref<1x256x128xf32, #tpu.memory_space<vmem>>
    %dma_wait3A_258 = tpu.memref_squeeze %dma_wait3A_257 : memref<1x256x128xf32, #tpu.memory_space<vmem>> -> memref<256x128xf32, #tpu.memory_space<vmem>>
    tpu.wait_dma2 semaphore(%arg10 : memref<!tpu.dma_semaphore, #tpu.memory_space<semaphore_mem>>) src(%dma_wait3A_258 : memref<256x128xf32, #tpu.memory_space<vmem>>) dst(%dma_wait3A_254 : memref<256x128xf32, #tpu.memory_space<hbm>>)
    %rem3A_259 = arith.constant 19 : i32
    %rem3A_260 = arith.constant 3 : i32
    %rem3A_261 = arith.remsi %rem3A_259, %rem3A_260 : i32
    %dma_wait3A_262 = arith.constant 0 : i32
    %dma_wait3A_263 = arith.constant 0 : i32
    %dma_wait3A_264 = tpu.memref_slice %arg6[%rem3A_261, %dma_wait3A_262, %dma_wait3A_263] : memref<3x256x128xf32, #tpu.memory_space<vmem>> -> memref<1x128x128xf32, #tpu.memory_space<vmem>>
    %dma_wait3A_265 = tpu.memref_squeeze %dma_wait3A_264 : memref<1x128x128xf32, #tpu.memory_space<vmem>> -> memref<128x128xf32, #tpu.memory_space<vmem>>
    %dma_wait3A_266 = arith.constant 4864 : i32
    %dma_wait3A_267 = tpu.memref_slice %arg7[%dma_wait3A_266] : memref<5120xi32, #tpu.memory_space<vmem>> -> memref<128xi32, #tpu.memory_space<vmem>>
    %dma_wait3A_268 = arith.constant 0 : i32
    %dma_wait3A_269 = arith.constant 0 : i32
    %dma_wait3A_270 = tpu.memref_slice %arg4[%dma_wait3A_268, %dma_wait3A_269] : memref<200x128xf32, #tpu.memory_space<hbm>> -> memref<200x128xf32, #tpu.memory_space<hbm>>
    tpu.wait_indirect_dma semaphore(%arg9 : memref<!tpu.dma_semaphore, #tpu.memory_space<semaphore_mem>>) src(%dma_wait3A_270 : memref<200x128xf32, #tpu.memory_space<hbm>>) dst(%dma_wait3A_265 : memref<128x128xf32, #tpu.memory_space<vmem>>)
    %dma_wait3A_271 = arith.constant 128 : i32
    %dma_wait3A_272 = arith.constant 0 : i32
    %dma_wait3A_273 = tpu.memref_slice %arg6[%rem3A_261, %dma_wait3A_271, %dma_wait3A_272] : memref<3x256x128xf32, #tpu.memory_space<vmem>> -> memref<1x128x128xf32, #tpu.memory_space<vmem>>
    %dma_wait3A_274 = tpu.memref_squeeze %dma_wait3A_273 : memref<1x128x128xf32, #tpu.memory_space<vmem>> -> memref<128x128xf32, #tpu.memory_space<vmem>>
    %dma_wait3A_275 = arith.constant 4992 : i32
    %dma_wait3A_276 = tpu.memref_slice %arg7[%dma_wait3A_275] : memref<5120xi32, #tpu.memory_space<vmem>> -> memref<128xi32, #tpu.memory_space<vmem>>
    %dma_wait3A_277 = arith.constant 0 : i32
    %dma_wait3A_278 = arith.constant 0 : i32
    %dma_wait3A_279 = tpu.memref_slice %arg4[%dma_wait3A_277, %dma_wait3A_278] : memref<200x128xf32, #tpu.memory_space<hbm>> -> memref<200x128xf32, #tpu.memory_space<hbm>>
    tpu.wait_indirect_dma semaphore(%arg9 : memref<!tpu.dma_semaphore, #tpu.memory_space<semaphore_mem>>) src(%dma_wait3A_279 : memref<200x128xf32, #tpu.memory_space<hbm>>) dst(%dma_wait3A_274 : memref<128x128xf32, #tpu.memory_space<vmem>>)
    %rem3A_280 = arith.constant 19 : i32
    %rem3A_281 = arith.constant 3 : i32
    %rem3A_282 = arith.remsi %rem3A_280, %rem3A_281 : i32
    %add3A_283 = arith.constant 4864 : i32
    %add3A_284 = arith.addi %mul3A_2, %add3A_283 : i32
    %dma_start3A_285 = arith.constant 0 : i32
    %dma_start3A_286 = arith.constant 0 : i32
    %dma_start3A_287 = tpu.memref_slice %arg6[%rem3A_282, %dma_start3A_285, %dma_start3A_286] : memref<3x256x128xf32, #tpu.memory_space<vmem>> -> memref<1x256x128xf32, #tpu.memory_space<vmem>>
    %dma_start3A_288 = tpu.memref_squeeze %dma_start3A_287 : memref<1x256x128xf32, #tpu.memory_space<vmem>> -> memref<256x128xf32, #tpu.memory_space<vmem>>
    %dma_start3A_289 = arith.constant 0 : i32
    %dma_start3A_290 = tpu.memref_slice %arg5[%add3A_284, %dma_start3A_289] : memref<163840x128xf32, #tpu.memory_space<hbm>> -> memref<256x128xf32, #tpu.memory_space<hbm>>
    %dma_start3A_291 = arith.constant 0 : i32
    %dma_start3A_292 = tpu.memref_slice %arg5[%add3A_284, %dma_start3A_291] : memref<163840x128xf32, #tpu.memory_space<hbm>> -> memref<256x128xf32, #tpu.memory_space<hbm>>
    %dma_start3A_293 = arith.constant 0 : i32
    %dma_start3A_294 = arith.constant 0 : i32
    %dma_start3A_295 = tpu.memref_slice %arg6[%rem3A_282, %dma_start3A_293, %dma_start3A_294] : memref<3x256x128xf32, #tpu.memory_space<vmem>> -> memref<1x256x128xf32, #tpu.memory_space<vmem>>
    %dma_start3A_296 = tpu.memref_squeeze %dma_start3A_295 : memref<1x256x128xf32, #tpu.memory_space<vmem>> -> memref<256x128xf32, #tpu.memory_space<vmem>>
    tpu.enqueue_dma source(%dma_start3A_296 : memref<256x128xf32, #tpu.memory_space<vmem>>) target(%dma_start3A_292 : memref<256x128xf32, #tpu.memory_space<hbm>>) target_semaphore(%arg10 : memref<!tpu.dma_semaphore, #tpu.memory_space<semaphore_mem>>)
    %dma_wait3A_297 = arith.constant 0 : i32
    %dma_wait3A_298 = arith.constant 0 : i32
    %dma_wait3A_299 = tpu.memref_slice %arg6[%rem3A_282, %dma_wait3A_297, %dma_wait3A_298] : memref<3x256x128xf32, #tpu.memory_space<vmem>> -> memref<1x256x128xf32, #tpu.memory_space<vmem>>
    %dma_wait3A_300 = tpu.memref_squeeze %dma_wait3A_299 : memref<1x256x128xf32, #tpu.memory_space<vmem>> -> memref<256x128xf32, #tpu.memory_space<vmem>>
    %dma_wait3A_301 = arith.constant 0 : i32
    %dma_wait3A_302 = tpu.memref_slice %arg5[%add3A_284, %dma_wait3A_301] : memref<163840x128xf32, #tpu.memory_space<hbm>> -> memref<256x128xf32, #tpu.memory_space<hbm>>
    %dma_wait3A_303 = arith.constant 0 : i32
    %dma_wait3A_304 = tpu.memref_slice %arg5[%add3A_284, %dma_wait3A_303] : memref<163840x128xf32, #tpu.memory_space<hbm>> -> memref<256x128xf32, #tpu.memory_space<hbm>>
    %dma_wait3A_305 = arith.constant 0 : i32
    %dma_wait3A_306 = arith.constant 0 : i32
    %dma_wait3A_307 = tpu.memref_slice %arg6[%rem3A_282, %dma_wait3A_305, %dma_wait3A_306] : memref<3x256x128xf32, #tpu.memory_space<vmem>> -> memref<1x256x128xf32, #tpu.memory_space<vmem>>
    %dma_wait3A_308 = tpu.memref_squeeze %dma_wait3A_307 : memref<1x256x128xf32, #tpu.memory_space<vmem>> -> memref<256x128xf32, #tpu.memory_space<vmem>>
    tpu.wait_dma2 semaphore(%arg10 : memref<!tpu.dma_semaphore, #tpu.memory_space<semaphore_mem>>) src(%dma_wait3A_308 : memref<256x128xf32, #tpu.memory_space<vmem>>) dst(%dma_wait3A_304 : memref<256x128xf32, #tpu.memory_space<hbm>>)
    return
  }
}

module attributes {stable_mosaic.version = 14 : i64} {
  func.func @_tc_body(%arg0: i32, %arg1: memref<1x1x16384xi32, #tpu.memory_space<vmem>>, %arg2: memref<16384x128xf32, #tpu.memory_space<vmem>>, %arg3: memref<256x128xbf16, #tpu.memory_space<vmem>>, %arg4: memref<16384x128xf32, #tpu.memory_space<vmem>>) attributes {dimension_semantics = [#tpu.dimension_semantics<arbitrary>], iteration_bounds = array<i64: 40>, scalar_prefetch = 0 : i64, scratch_operands = 0 : i64, tpu.core_type = #tpu.core_type<tc>, window_params = [{transform_indices = @transform_0, window_bounds = array<i64: 1, 1, 16384>}, {transform_indices = @transform_1, window_bounds = array<i64: 16384, 128>}, {pipeline_mode = #tpu.pipeline_mode<synchronous>, transform_indices = @transform_2, window_bounds = array<i64: 256, 128>}, {transform_indices = @transform_3, window_bounds = array<i64: 16384, 128>}]} {
    %get3A = arith.constant 0 : index
    %get3A_0 = arith.constant 0 : index
    %get3A_1 = arith.constant 0 : index
    %get3A_2 = vector.load %arg1[%get3A, %get3A_0, %get3A_1] : memref<1x1x16384xi32, #tpu.memory_space<vmem>>, vector<1x1x16384xi32>
    %get3A_3 = vector.shape_cast %get3A_2 : vector<1x1x16384xi32> to vector<16384xi32>
    %reshape3A = vector.shape_cast %get3A_3 : vector<16384xi32> to vector<16384x1xi32>
    %iota3A = tpu.iota {dimensions = array<i32: 1>} : vector<16384x256xi32>
    %eq3A = vector.broadcast %reshape3A : vector<16384x1xi32> to vector<16384x256xi32>
    %eq3A_4 = arith.cmpi eq, %eq3A, %iota3A : vector<16384x256xi32>
    %convert_element_type3A = arith.extui %eq3A_4 : vector<16384x256xi1> to vector<16384x256xi32>
    %convert_element_type3A_5 = arith.sitofp %convert_element_type3A : vector<16384x256xi32> to vector<16384x256xf32>
    %convert_element_type3A_6 = arith.truncf %convert_element_type3A_5 : vector<16384x256xf32> to vector<16384x256xbf16>
    %get3A_7 = arith.constant 0 : index
    %get3A_8 = arith.constant 0 : index
    %get3A_9 = vector.load %arg3[%get3A_7, %get3A_8] : memref<256x128xbf16, #tpu.memory_space<vmem>>, vector<256x128xbf16>
    %dot_general3A = arith.constant dense<0.000000e+00> : vector<16384x128xf32>
    %dot_general3A_10 = tpu.matmul %convert_element_type3A_6, %get3A_9, %dot_general3A {dimension_numbers = #tpu.dot_dimension_numbers<[1], [0], [0], [1], [0, 0, 1, 1], [], []>, transpose_lhs_hint = false} : vector<16384x256xbf16>, vector<256x128xbf16>, vector<16384x128xf32> -> vector<16384x128xf32>
    %get3A_11 = arith.constant 0 : index
    %get3A_12 = arith.constant 0 : index
    %get3A_13 = vector.load %arg2[%get3A_11, %get3A_12] : memref<16384x128xf32, #tpu.memory_space<vmem>>, vector<16384x128xf32>
    %add3A = arith.addf %get3A_13, %dot_general3A_10 : vector<16384x128xf32>
    %swap3A = arith.constant 0 : index
    %swap3A_14 = arith.constant 0 : index
    %swap3A_15 = vector.load %arg4[%swap3A, %swap3A_14] : memref<16384x128xf32, #tpu.memory_space<vmem>>, vector<16384x128xf32>
    tpu.vector_store %arg4[%swap3A, %swap3A_14], %add3A {strides = array<i32>} : memref<16384x128xf32, #tpu.memory_space<vmem>>, vector<16384x128xf32>,
    return
  }
  func.func @transform_0(%arg0: i32) -> (i32, i32, i32) {
    %add3A = arith.constant 10 : i32
    %add3A_0 = arith.addi %arg0, %add3A : i32
    %c0_i32 = arith.constant 0 : i32
    %c0_i32_1 = arith.constant 0 : i32
    %c0_i32_2 = arith.constant 0 : i32
    return %add3A_0, %c0_i32, %c0_i32_1 : i32, i32, i32
  }
  func.func @transform_1(%arg0: i32) -> (i32, i32) {
    %add3A = arith.constant 10 : i32
    %add3A_0 = arith.addi %arg0, %add3A : i32
    %c0_i32 = arith.constant 0 : i32
    %c0_i32_1 = arith.constant 0 : i32
    return %add3A_0, %c0_i32 : i32, i32
  }
  func.func @transform_2(%arg0: i32) -> (i32, i32) {
    %c0_i32 = arith.constant 0 : i32
    %c0_i32_0 = arith.constant 0 : i32
    %c0_i32_1 = arith.constant 0 : i32
    return %c0_i32, %c0_i32_0 : i32, i32
  }
  func.func @transform_3(%arg0: i32) -> (i32, i32) {
    %add3A = arith.constant 10 : i32
    %add3A_0 = arith.addi %arg0, %add3A : i32
    %c0_i32 = arith.constant 0 : i32
    %c0_i32_1 = arith.constant 0 : i32
    return %add3A_0, %c0_i32 : i32, i32
  }
}

module attributes {stable_mosaic.version = 14 : i64} {
  func.func @_merge_body(%arg0: i32, %arg1: memref<16384x128xf32, #tpu.memory_space<vmem>>, %arg2: memref<819200x128xf32, #tpu.memory_space<any>>, %arg3: memref<16384x128xf32, #tpu.memory_space<vmem>>) attributes {dimension_semantics = [#tpu.dimension_semantics<arbitrary>], iteration_bounds = array<i64: 10>, scalar_prefetch = 0 : i64, scratch_operands = 0 : i64, tpu.core_type = #tpu.core_type<tc>, window_params = [{transform_indices = @transform_0, window_bounds = array<i64: 16384, 128>}, {}, {transform_indices = @transform_2, window_bounds = array<i64: 16384, 128>}]} {
    %get3A = arith.constant 0 : index
    %get3A_0 = arith.constant 0 : index
    %get3A_1 = vector.load %arg1[%get3A, %get3A_0] : memref<16384x128xf32, #tpu.memory_space<vmem>>, vector<16384x128xf32>
    %swap3A = arith.constant 0 : index
    %swap3A_2 = arith.constant 0 : index
    %swap3A_3 = vector.load %arg3[%swap3A, %swap3A_2] : memref<16384x128xf32, #tpu.memory_space<vmem>>, vector<16384x128xf32>
    tpu.vector_store %arg3[%swap3A, %swap3A_2], %get3A_1 {strides = array<i32>} : memref<16384x128xf32, #tpu.memory_space<vmem>>, vector<16384x128xf32>,
    return
  }
  func.func @transform_0(%arg0: i32) -> (i32, i32) {
    %c0_i32 = arith.constant 0 : i32
    %c0_i32_0 = arith.constant 0 : i32
    return %arg0, %c0_i32 : i32, i32
  }
  func.func @transform_2(%arg0: i32) -> (i32, i32) {
    %c0_i32 = arith.constant 0 : i32
    %c0_i32_0 = arith.constant 0 : i32
    return %arg0, %c0_i32 : i32, i32
  }
}

</mosaic_0001>

<sc_bundles>
// kernel: _pe_add.5.cloned.1.call-start
scs
__scs_entry_jumppad:
0x0: {  	(pc) =	sbr.rel $0x88, $3  }
0x1: {  	(tag) =	ssettag $0x0;
	lr =	simm.s32 $0x1  }
0x2: {  	[smem:$0x3F9E] =	sst lr;
	_ =	strace $0xD0000000  }
0x3: {  	_ = 	snop  }
0x4: {  	_ = 	snop  }
0x5: {  	_ = 	snop  }
0x6: {  	_ = 	snop  }
0x7: {  	_ = 	snop  }
__scs_overlays_trampoline_lowered:
0x8: {  	[smem:$0x3FAD] =	sst s0  }
0x9: {  	[smem:$0x3FAE] =	sst s1  }
0xa: {  	[smem:$0x3FAF] =	sst s2  }
0xb: {  	[smem:$0x3FB0] =	sst s3  }
0xc: {  	[smem:$0x3FB1] =	sst s4  }
0xd: {  	[smem:$0x3FB2] =	sst s5  }
0xe: {  	[smem:$0x3FB3] =	sst s6  }
0xf: {  	[smem:$0x3FB4] =	sst s7  }
0x10: {  	[smem:$0x3FB5] =	sst s8  }
0x11: {  	[smem:$0x3FB6] =	sst s9;
	s0 =	simm.s32 @!p0 $0x0  }
0x12: {  	s1 =	sld [smem:$0x3F9C];
	s0 =	simm.s32 @p0 $0x1  }
0x13: {  	[smem:$0x3FB7] =	sst s0;
	s0 =	simm.s32 @!p1 $0x0  }
0x14: {  	s2 =	sld [smem:$0x3F9B];
	s0 =	simm.s32 @p1 $0x1  }
0x15: {  	[smem:$0x3FB8] =	sst s0;
	s0 =	simm.s32 @!p2 $0x0  }
0x16: {  	s3 =	sld [smem:$0x3FDB];
	s0 =	simm.s32 @p2 $0x1  }
0x17: {  	s4 =	simm.s32 $0x1BF5;
	[smem:$0x3FBA] =	sst s0  }
0x18: {  	s0 =	sld [smem:$0x3F9D];
	_ =	swait.ge [sflag:s4], $0x0  }
0x19: {  	s7 =	sld [smem:$0x3F9E]  }
0x1a: {  	s8 =	sadd.s32 $0xFFFFE003, lr  }
0x1b: {  	s9 =	sadd.s32 $0xFFFFFEF7, lr;
	s5 =	simm.s32 $0xFFFFFFFF;
	p2 =	slt.u32 s8, $0xFFFFF086  }
0x1c: {  	p1 =	slt.u32 s9, $0xF7A;
	s5 =	simm.s32 @!p2 $0x0  }
0x1d: {  	s5 =	simm.s32 @p1 $0x1;
	p0 =	seq.s32 s7, s2  }
0x1e: {  	s7 =	smul.u32 @!p0 $0xF7A, s2;
	p2 =	seq.s32 @!p0 s5, $0x0  }
0x1f: {  	s9 =	smul.u32 $0xF7A, s1;
	s8 =	simm.s32 @!p0 $0x1BF5;
	p2 =	por !p2, p0  }
0x20: {  	[sflag:s8] =	ssyncset.s32 @!p0 $0xFFFFF086;
	s6 =	sadd.s32 @!p0 s3, s7;
	s7 =	simm.s32 @!p0 $0x108  }
0x21: {  	s3 =	sadd.s32 s3, s9;
	s6 =	sadd.s32 @!p0 $0x88, s6;
	s7 =	simm.s32 @p2 $0x1082  }
0x22: {  	[simem:s7], [sflag:s8] =	dma.local @!p0 [hbm:s6], $0xF7A  }
0x23: {  	s9 =	sor.u32 $0xD0000000, s2;
	s6 =	simm.s32 $0x108;
	_ =	swait.ge @!p0 [sflag:s8], $0x0  }
0x24: {  	s3 =	sadd.s32 $0x88, s3;
	s6 =	simm.s32 @!p1 $0x1082;
	[sflag:s4] =	ssyncset.s32 $0xFFFFF086  }
0x25: {  	[simem:s6], [sflag:s4] =	dma.local [hbm:s3], $0xF7A  }
0x26: {  	[smem:$0x3F9E] =	sst s1;
	(tag) =	ssettag s2;
	_ =	strace s9  }
0x27: {  	s1 =	sld [smem:$0x3FAE]  }
0x28: {  	s2 =	sld [smem:$0x3FAF]  }
0x29: {  	s4 =	sld [smem:$0x3FB1]  }
0x2a: {  	p0 =	seq.s32 s5, $0x0;
	s5 =	sld [smem:$0x3FB2]  }
0x2b: {  	s6 =	sld [smem:$0x3FB3]  }
0x2c: {  	s7 =	sld [smem:$0x3FB4]  }
0x2d: {  	s3 =	simm.s32 $0x108;
	s8 =	sld [smem:$0x3FB5]  }
0x2e: {  	s3 =	simm.s32 @!p0 $0x1082;
	s9 =	sld [smem:$0x3FB6]  }
0x2f: {  	lr =	sadd.s32 s0, s3;
	s0 =	sld [smem:$0x3FAD]  }
0x30: {  	s3 =	sld [smem:$0x3FB0]  }
0x31: {  	[smem:$0x3FB9] =	sst s10  }
0x32: {  	s10 =	sld [smem:$0x3FB7];
	_ =	sdelay $0x3  }
0x33: {  	p0 =	seq.s32 s10, $0x1;
	s10 =	sld [smem:$0x3FB9];
	_ =	sdelay $0x3  }
0x34: {  	[smem:$0x3FB9] =	sst s10  }
0x35: {  	s10 =	sld [smem:$0x3FB8];
	_ =	sdelay $0x3  }
0x36: {  	p1 =	seq.s32 s10, $0x1;
	s10 =	sld [smem:$0x3FB9];
	_ =	sdelay $0x3  }
0x37: {  	[smem:$0x3FB9] =	sst s10  }
0x38: {  	s10 =	sld [smem:$0x3FBA]  }
0x39: {  	_ = 	snop;
	(pc) =	sbr.ind lr, $3  }
0x3a: {  	_ = 	snop  }
0x3b: {  	_ = 	snop  }
0x3c: {  	p2 =	seq.s32 s10, $0x1;
	s10 =	sld [smem:$0x3FB9]  }
0x3d: {  	_ =	shalt  }
0x3e: {  	_ =	shalt  }
0x3f: {  	_ =	shalt  }
0x40: {  	_ =	shalt  }
0x41: {  	_ =	shalt  }
0x42: {  	_ =	shalt  }
0x43: {  	_ =	shalt  }
0x44: {  	_ =	shalt  }
0x45: {  	_ =	shalt  }
0x46: {  	_ =	shalt  }
0x47: {  	_ =	shalt  }
0x48: {  	_ =	shalt  }
0x49: {  	_ =	shalt  }
0x4a: {  	_ =	shalt  }
0x4b: {  	_ =	shalt  }
0x4c: {  	_ =	shalt  }
0x4d: {  	_ =	shalt  }
0x4e: {  	_ =	shalt  }
0x4f: {  	_ =	shalt  }
0x50: {  	_ =	shalt  }
0x51: {  	_ =	shalt  }
0x52: {  	_ =	shalt  }
0x53: {  	_ =	shalt  }
0x54: {  	_ =	shalt  }
0x55: {  	_ =	shalt  }
0x56: {  	_ =	shalt  }
0x57: {  	_ =	shalt  }
0x58: {  	_ =	shalt  }
0x59: {  	_ =	shalt  }
0x5a: {  	_ =	shalt  }
0x5b: {  	_ =	shalt  }
0x5c: {  	_ =	shalt  }
0x5d: {  	_ =	shalt  }
0x5e: {  	_ =	shalt  }
0x5f: {  	_ =	shalt  }
0x60: {  	_ =	shalt  }
0x61: {  	_ =	shalt  }
0x62: {  	_ =	shalt  }
0x63: {  	_ =	shalt  }
0x64: {  	_ =	shalt  }
0x65: {  	_ =	shalt  }
0x66: {  	_ =	shalt  }
0x67: {  	_ =	shalt  }
0x68: {  	_ =	shalt  }
0x69: {  	_ =	shalt  }
0x6a: {  	_ =	shalt  }
0x6b: {  	_ =	shalt  }
0x6c: {  	_ =	shalt  }
0x6d: {  	_ =	shalt  }
0x6e: {  	_ =	shalt  }
0x6f: {  	_ =	shalt  }
0x70: {  	_ =	shalt  }
0x71: {  	_ =	shalt  }
0x72: {  	_ =	shalt  }
0x73: {  	_ =	shalt  }
0x74: {  	_ =	shalt  }
0x75: {  	_ =	shalt  }
0x76: {  	_ =	shalt  }
0x77: {  	_ =	shalt  }
0x78: {  	_ =	shalt  }
0x79: {  	_ =	shalt  }
0x7a: {  	_ =	shalt  }
0x7b: {  	_ =	shalt  }
0x7c: {  	_ =	shalt  }
0x7d: {  	_ =	shalt  }
0x7e: {  	_ =	shalt  }
0x7f: {  	_ =	shalt  }
0x80: {  	_ =	shalt  }
0x81: {  	_ =	shalt  }
0x82: {  	_ =	shalt  }
0x83: {  	_ =	shalt  }
0x84: {  	_ =	shalt  }
0x85: {  	_ =	shalt  }
0x86: {  	_ =	shalt  }
0x87: {  	_ =	shalt  }
.Lfunc_end0:
.L_simem_size_0:
called_computation_lowered:
.L_overlay_start_0:
0x88: {  	s2 =	sld [smem:$0x3FD9]  }
0x89: {  	s3 =	sld [smem:$0x3FFE];
	_ =	sdelay $0x1  }
0x8a: {  	s1 =	srdreg.scid  }
0x8b: {  	s0 =	sand.u32 $0x1, s1  }
0x8c: {  	s17 =	sshll.u32 s0, $0xA;
	s2 =	sadd.s32 s3, s2  }
0x8d: {  	s2 =	sadd.s32 s2, s17  }
0x8e: {  	[smem:$0x3FC5] =	sst s2  }
0x8f: {  	_ = 	snop  }
0x90: {  	s2 =	sld [smem:$0x3FC9]  }
0x91: {  	s18 =	sld [smem:$0x3FC8]  }
0x92: {  	s4 =	sld [smem:$0x3FC7];
	(tm) =	ssettm $0x1  }
0x93: {  	s5 =	sld [smem:$0x3FFB];
	_ =	sdelay $0x3  }
0x94: {  	_ =	strace s5  }
0x95: {  	s5 =	sld [smem:$0x3FFC];
	_ =	sdelay $0x3  }
0x96: {  	_ =	strace s5  }
0x97: {  	s5 =	sld [smem:$0x3FFD];
	_ =	sdelay $0x3  }
0x98: {  	_ =	strace s5  }
0x99: {  	_ =	strace $0x8FFFFFFF  }
0x9a: {  	s19 =	sld [smem:$0x3FDB];
	_ =	sdelay $0x1  }
0x9b: {  	s6 =	simm.s32 $_scs_section_size  }
0x9c: {  	s7 =	simm.s32 $_size__tile_overlayer_lowered;
	s8 =	simm.s32 $_tile_overlayer_lowered  }
0x9d: {  	s22 =	simm.s32 $0x1BFF;
	s21 =	sshll.u32 s8, $0x1;
	s5 =	sadd.s32 s6, s19  }
0x9e: {  	s9 =	simm.s32 $0x0;
	s20 =	sshll.u32 s7, $0x1;
	s7 =	sadd.s32 s21, s5  }
0x9f: {  	[timem:s9], [sflag:s22] =	dma.local [hbm:s7], s20  }
0xa0: {  	_ =	swait.ge [sflag:s22], s20  }
0xa1: {  	s6 =	ssub.s32 $0x0, s20;
	[sflag:s22] =	ssyncset.done $0x0  }
0xa2: {  	[sflag:s22] =	ssyncadd.s32 s6;
	_ =	sdelay $0x1  }
0xa3: {  	s23 =	simm.s32 $0x1B8B  }
0xa4: {  	_ =	swait.ge [sflag:s23], $0x1  }
0xa5: {  	[sflag:s23] =	ssyncset.done $0x0  }
0xa6: {  	s25 =	simm.s32 $0x1B8E;
	s24 =	sld [smem:$0x3FFE];
	[sflag:s23] =	ssyncadd.s32 $0xFFFFFFFF  }
0xa7: {  	s26 =	simm.s32 $execute0_lowered;
	[smem:$0x3FD2] =	sst s25  }
0xa8: {  	s7 =	sshll.u32 s26, $0x1;
	_ =	strace $0x80000046;
	[dreg:$0x1] =	wrdreg $0xFFFFFFFF  }
0xa9: {  	s28 =	simm.s32 $_size_execute0_lowered;
	s5 =	sadd.s32 s5, s7;
	[dreg:$0x0] =	wrdreg $0x0  }
0xaa: {  	s7 =	sshll.u32 s28, $0x1;
	[dreg:$0x2] =	wrdreg s5  }
0xab: {  	[dreg:$0x3] =	wrdreg s7  }
0xac: {  	[dreg:$0x4] =	wrdreg $0xC0  }
0xad: {  	_ =	task [dreg:s9], $0x5FFFF  }
0xae: {  	[dreg:$0x1] =	wrdreg $0xFFFFFFFF  }
0xaf: {  	[dreg:$0x0] =	wrdreg $0x60  }
0xb0: {  	[dreg:$0x2] =	wrdreg s2  }
0xb1: {  	[dreg:$0x3] =	wrdreg s18  }
0xb2: {  	[dreg:$0x4] =	wrdreg s4  }
0xb3: {  	[dreg:$0x5] =	wrdreg s24  }
0xb4: {  	[dreg:$0x6] =	wrdreg $0x9  }
0xb5: {  	_ =	task.clear_ibuf [dreg:s9], $0x7FFFF;
	_ =	strace $0x90000046  }
0xb6: {  	s29 =	simm.s32 $0x9;
	_ =	strace $0x80000048  }
0xb7: {  	_ =	swait.ge [sflag:s29], $0x1  }
0xb8: {  	[sflag:s29] =	ssyncadd.s32 $0xFFFFFFFF  }
0xb9: {  	_ =	strace $0x90000048  }
0xba: {  	_ =	sfence  }
0xbb: {  	s30 =	sld [smem:$0x0];
	_ =	sdelay $0x2  }
0xbc: {  	s31 =	sshll.u32 s1, $0xD;
	s1 =	sshrl.u32 s1, $0x2  }
0xbd: {  	s3 =	sand.u32 $0x4000, s31;
	s1 =	sadd.s32 s1, s30  }
0xbe: {  	s0 =	sor.u32 s3, s0;
	s1 =	sshll.u32 s1, $0x11  }
0xbf: {  	s0 =	sor.u32 s1, s0  }
0xc0: {  	s0 =	sadd.s32 $0x8F2B, s0  }
0xc1: {  	[sflag:s0] =	ssyncadd.remote.s32 $0x1  }
0xc2: {  	_ =	sfence.sel $0xFFFF  }
0xc3: {  	[dreg:$0x0] =	wrdreg $0xFFFFFFFF;
	(pc) =	sbr.abs _section_cstart, $3  }
0xc4: {  	[dreg:$0x1] =	wrdreg $0xFFFFFFFF  }
0xc5: {  	_ =	task.clear_ibuf [dreg:s9], $0x2FFFF;
	_ =	strace $0x9FFFFFFF  }
0xc6: {  	(tm) =	ssettm $0x7FFFFFFF  }
0xc7: {  	_ =	shalt  }
tec
execute0_lowered:
.L_overlay_start_1:
0x0: {  	(tag) =	ssettag $0x1  }
0x1: {  	s0 =	rddreg [dreg:$0x0]  }
0x2: {  	s1 =	rddreg [dreg:$0x1]  }
0x3: {  	s2 =	rddreg [dreg:$0x2];
	s3 =	srdreg.scid  }
0x4: {  	s13 =	stileid.u32;
	s4 =	rddreg [dreg:$0x3]  }
0x5: {  	s14 =	simm.s32 $0x18000;
	s15 =	simm.s32 $0x4;
	s16 =	simm.s32 $0x1  }
0x6: {  	s17 =	simm.s32 $0x80;
	s20 =	simm.s32 $0x8000;
	s21 =	simm.s32 $0x2  }
0x7: {  	s6 =	sand.u32 $0x1, s3;
	s5 =	sshll.u32 s13, $0x1;
	s25 =	smul.u32 $0x140000, s13  }
0x8: {  	s30 =	simm.s32 $0x0;
	s5 =	sor.u32 s6, s5;
	s28 =	smul.u32 $0xA0000, s6  }
0x9: {  	s3 =	simm.s32 $0x0;
	s12 =	sadd.s32 $0x800, s4;
	s7 =	smul.u32 $0x280, s5  }
0xa: {  	[smem:$0x7FF] =	sst s3;
	s8 =	ssub.s32 $0x2, s6;
	s9 =	smul.u32 $0x14000, s5  }
0xb: {  	_ =	strace $0x80000047;
	s24 =	sshrl.u32 s8, $0x1;
	s10 =	smul.u32 $0xA0000, s5  }
0xc: {  	s11 =	ssub.s32 s8, s24;
	s24 =	simm.s32 $0xC000;
	s1 =	sadd.s32 s1, s7  }
0xd: {  	s5 =	sadd.s32 s0, s9;
	s26 =	sshrl.u32 s10, $0x3;
	s7 =	sadd.s32 s12, s9  }
0xe: {  	s11 =	smax.u32 s11, $0x1;
	[dreg:$0x5] =	wrdreg s1;
	s6 =	sadd.s32 $0x1000, s5  }
0xf: {  	s29 =	sadd.s32 s12, s26;
	s8 =	sadd.s32 $0x2000, s5;
	s1 =	sadd.s32 s28, s25  }
0x10: {  	s26 =	simm.s32 $0x3;
	s31 =	sor.u32 $0x18000, s1;
	s1 =	sor.u32 $0x8000, s1  }
0x11: {  	s9 =	sadd.s32 $0x12000, s29;
	s13 =	sshrl.u32 s31, $0x3;
	s1 =	sshrl.u32 s1, $0x3  }
0x12: {  	s10 =	sadd.s32 $0x13000, s29;
	s19 =	sadd.s32 s13, s0;
	s13 =	sadd.s32 s1, s12  }
.LBB2_1:
0x13: {  	s0 =	rddreg [dreg:$0x5]  }
0x14: {  	[tilespmem:s14], [sflag:$0x4] =	stream.linear.gather [hbm4b:s0+s3], $0x1400, $0x38;
	[tilespmem:$0x19400] =	vst v63  }
0x15: {  	_ =	swait.ge [sflag:s15], $0x1400  }
0x16: {  	[sflag:s15] =	ssyncset.done $0x0  }
0x17: {  	[sflag:s15] =	ssyncadd.s32 $0xFFFFEC00  }
0x18: {  	[tilespmem:s3], [sflag:$0x1] =	stream.linear.gather [hbm4b:s5+s3], $0x8000, $0x38;
	[tilespmem:$0x19400] =	vst v63  }
0x19: {  	_ =	swait.ge [sflag:s16], $0x8000  }
0x1a: {  	[sflag:s16] =	ssyncset.done $0x0  }
0x1b: {  	[sflag:s16] =	ssyncadd.s32 $0xFFFF8000  }
0x1c: {  	[tilespmem:s3], [sflag:$0x2] =	stream.indirect.gather.add.f32 [hbm:s2], $0x80, s14, s17, $0xb8;
	[tilespmem:$0x19400] =	vst v63  }
0x1d: {  	s23 =	simm.s32 $0x18080;
	s1 =	simm.s32 $0x4000  }
0x1e: {  	[tilespmem:s1], [sflag:$0x2] =	stream.indirect.gather.add.f32 [hbm:s2], $0x80, s23, s17, $0xb8;
	[tilespmem:$0x19400] =	vst v63  }
0x1f: {  	_ = 	snop  }
0x20: {  	[tilespmem:s20], [sflag:$0x1] =	stream.linear.gather [hbm4b:s6+s3], $0x8000, $0x38;
	[tilespmem:$0x19400] =	vst v63  }
0x21: {  	_ =	swait.ge [sflag:s21], $0x4000  }
0x22: {  	[sflag:s21] =	ssyncset.done $0x0  }
0x23: {  	[sflag:s21] =	ssyncadd.s32 $0xFFFFC000  }
0x24: {  	_ =	swait.ge [sflag:s21], $0x4000  }
0x25: {  	[sflag:s21] =	ssyncset.done $0x0  }
0x26: {  	[sflag:s21] =	ssyncadd.s32 $0xFFFFC000  }
0x27: {  	[hbm4b:s7+s3] =	stream.linear.scatter [tilespmem:s3], [sflag:$0x3], $0x8000, $0x38;
	[tilespmem:$0x19400] =	vst v63  }
0x28: {  	s25 =	simm.s32 $0x18100;
	_ =	swait.ge [sflag:s16], $0x8000  }
0x29: {  	s4 =	simm.s32 $0x1;
	s22 =	smul.u32 $0xAB, s26;
	[sflag:s16] =	ssyncset.done $0x0  }
0x2a: {  	s12 =	simm.s32 $0x10000;
	s0 =	smul.u32 $0x56, s4;
	[sflag:s16] =	ssyncadd.s32 $0xFFFF8000  }
0x2b: {  	[tilespmem:s20], [sflag:$0x2] =	stream.indirect.gather.add.f32 [hbm:s2], $0x80, s25, s17, $0xb8;
	[tilespmem:$0x19400] =	vst v63  }
0x2c: {  	s31 =	simm.s32 $0x4;
	s18 =	sshrl.u32 s0, $0xF;
	s1 =	simm.s32 $0x18180  }
0x2d: {  	[tilespmem:s24], [sflag:$0x2] =	stream.indirect.gather.add.f32 [hbm:s2], $0x80, s1, s17, $0xb8;
	[tilespmem:$0x19400] =	vst v63  }
0x2e: {  	s0 =	sshrl.u32 s0, $0x8;
	s1 =	sand.u32 $0x1, s18;
	_ =	swait.ge [sflag:s26], $0x8000  }
0x2f: {  	s18 =	sadd.s32 $0xFFFFFF55, s22;
	s0 =	sadd.s32 s1, s0;
	[sflag:s26] =	ssyncset.done $0x0  }
0x30: {  	s18 =	sshrl.u32 s18, $0x9;
	s0 =	smul.u32 $0x3, s0;
	[sflag:s26] =	ssyncadd.s32 $0xFFFF8000  }
0x31: {  	[tilespmem:s12], [sflag:$0x1] =	stream.linear.gather [hbm4b:s8+s3], $0x8000, $0x38;
	[tilespmem:$0x19400] =	vst v63  }
0x32: {  	s1 =	sshrl.u32 s22, $0x9;
	s22 =	simm.s32 $0x5;
	_ =	swait.ge [sflag:s21], $0x4000  }
0x33: {  	s18 =	sand.u32 $0x7F, s18;
	s0 =	ssub.s32 $0x1, s0;
	[sflag:s21] =	ssyncset.done $0x0  }
0x34: {  	s1 =	sand.u32 $0x7F, s1;
	s0 =	sshll.u32 s0, $0x18;
	[sflag:s21] =	ssyncadd.s32 $0xFFFFC000  }
0x35: {  	s18 =	smul.u32 $0x3, s18;
	s0 =	sshra.s32 s0, $0x18;
	_ =	swait.ge [sflag:s21], $0x4000  }
0x36: {  	s23 =	smul.u32 $0x3, s1;
	s0 =	sshll.u32 s0, $0x11;
	[sflag:s21] =	ssyncset.done $0x0  }
0x37: {  	s18 =	sxor.u32 $0xFFFFFFFF, s18;
	s0 =	sshra.s32 s0, $0x2;
	[sflag:s21] =	ssyncadd.s32 $0xFFFFC000  }
0x38: {  	[hbm4b:s13+s3] =	stream.linear.scatter [tilespmem:s0], [sflag:$0x3], $0x8000, $0x38;
	[tilespmem:$0x19400] =	vst v63  }
0x39: {  	s12 =	simm.s32 $0x18200;
	s25 =	sadd.s32 $0x3, s18;
	_ =	swait.ge [sflag:s16], $0x8000  }
0x3a: {  	s18 =	sadd.s32 $0x1000, s13;
	s1 =	sand.u32 $0xFF, s25;
	[sflag:s16] =	ssyncset.done $0x0  }
0x3b: {  	s1 =	sshll.u32 s1, $0xF;
	s0 =	ssub.s32 $0x3, s23;
	[sflag:s16] =	ssyncadd.s32 $0xFFFF8000  }
0x3c: {  	[tilespmem:s1], [sflag:$0x2] =	stream.indirect.gather.add.f32 [hbm:s2], $0x80, s12, s17, $0xb8;
	[tilespmem:$0x19400] =	vst v63  }
0x3d: {  	s25 =	simm.s32 $0x18280;
	s23 =	sor.u32 $0x4000, s1;
	s4 =	sand.u32 $0xFF, s0  }
0x3e: {  	[tilespmem:s23], [sflag:$0x2] =	stream.indirect.gather.add.f32 [hbm:s2], $0x80, s25, s17, $0xb8;
	[tilespmem:$0x19400] =	vst v63  }
0x3f: {  	s0 =	simm.s32 $0x18300;
	s29 =	sshll.u32 s4, $0xF;
	_ =	swait.ge [sflag:s26], $0x8000  }
0x40: {  	s1 =	sadd.s32 $0x1000, s19;
	s23 =	simm.s32 $0x2;
	[sflag:s26] =	ssyncset.done $0x0  }
0x41: {  	s12 =	smov.u32 s19;
	s28 =	smul.u32 $0x56, s23;
	[sflag:s26] =	ssyncadd.s32 $0xFFFF8000  }
.LBB2_2:
0x42: {  	[tilespmem:s29], [sflag:$0x1] =	stream.linear.gather [hbm4b:s12+s3], $0x8000, $0x38;
	[tilespmem:$0x19400] =	vst v63  }
0x43: {  	s29 =	smov.u32 s22;
	s12 =	smov.u32 s1  }
0x44: {  	s25 =	sadd.s32 $0x1, s22;
	_ =	swait.ge [sflag:s21], $0x4000;
	s4 =	sshrl.u32 s28, $0xF  }
0x45: {  	s28 =	sshrl.u32 s28, $0x8;
	[sflag:s21] =	ssyncset.done $0x0;
	s4 =	sand.u32 $0x1, s4  }
0x46: {  	[sflag:s21] =	ssyncadd.s32 $0xFFFFC000;
	s4 =	sadd.s32 s4, s28;
	s28 =	smul.u32 $0xAB, s31  }
0x47: {  	p0 =	sne.s32 s22, $0x13;
	s4 =	smul.u32 $0x3, s4  }
0x48: {  	s22 =	sadd.s32 $0xFFFFFF55, s28;
	s28 =	sshrl.u32 s28, $0x9  }
0x49: {  	s4 =	ssub.s32 s23, s4;
	s22 =	sshrl.u32 s22, $0x9;
	s23 =	sand.u32 $0x7F, s28  }
0x4a: {  	s4 =	sshll.u32 s4, $0x18;
	s22 =	sand.u32 $0x7F, s22;
	s23 =	smul.u32 $0x3, s23  }
0x4b: {  	_ =	swait.ge [sflag:s21], $0x4000;
	s4 =	sshra.s32 s4, $0x18;
	s22 =	smul.u32 $0x3, s22  }
0x4c: {  	[sflag:s21] =	ssyncset.done $0x0;
	s4 =	sshll.u32 s4, $0x11;
	s23 =	ssub.s32 s31, s23  }
0x4d: {  	[sflag:s21] =	ssyncadd.s32 $0xFFFFC000;
	s4 =	sshra.s32 s4, $0x2;
	s22 =	sxor.u32 $0xFFFFFFFF, s22  }
0x4e: {  	[hbm4b:s18+s3] =	stream.linear.scatter [tilespmem:s4], [sflag:$0x3], $0x8000, $0x38;
	[tilespmem:$0x19400] =	vst v63  }
0x4f: {  	s4 =	sadd.s32 s31, s22;
	s22 =	sand.u32 $0xFF, s23;
	_ =	swait.ge [sflag:s16], $0x8000  }
0x50: {  	s31 =	smov.u32 s29;
	s4 =	sand.u32 $0xFF, s4;
	[sflag:s16] =	ssyncset.done $0x0  }
0x51: {  	s1 =	sadd.s32 $0x1000, s1;
	s4 =	sshll.u32 s4, $0xF;
	[sflag:s16] =	ssyncadd.s32 $0xFFFF8000  }
0x52: {  	[tilespmem:s4], [sflag:$0x2] =	stream.indirect.gather.add.f32 [hbm:s2], $0x80, s0, s17, $0xb8;
	[tilespmem:$0x19400] =	vst v63  }
.Ltmp0:
0x53: {  	s23 =	sadd.s32 $0x80, s0;
	s4 =	sor.u32 $0x4000, s4;
	(pc) =	sbr.rel @p0 .LBB2_2-.Ltmp0, $4  }
0x54: {  	[tilespmem:s4], [sflag:$0x2] =	stream.indirect.gather.add.f32 [hbm:s2], $0x80, s23, s17, $0xb8;
	[tilespmem:$0x19400] =	vst v63  }
0x55: {  	s18 =	sadd.s32 $0x1000, s18;
	s0 =	sadd.s32 $0x100, s0;
	_ =	swait.ge [sflag:s26], $0x8000  }
0x56: {  	s29 =	sshll.u32 s22, $0xF;
	s23 =	sadd.s32 $0xFFFFFFFE, s31;
	[sflag:s26] =	ssyncset.done $0x0  }
0x57: {  	s22 =	smov.u32 s25;
	s28 =	smul.u32 $0x56, s23;
	[sflag:s26] =	ssyncadd.s32 $0xFFFF8000  }
0x58: {  	[tilespmem:s29], [sflag:$0x1] =	stream.linear.gather [hbm4b:s12+s3], $0x8000, $0x38;
	[tilespmem:$0x19400] =	vst v63  }
0x59: {  	s4 =	sshrl.u32 s28, $0xF  }
0x5a: {  	s28 =	sshrl.u32 s28, $0x8;
	s4 =	sand.u32 $0x1, s4  }
0x5b: {  	s29 =	smul.u32 $0xAB, s31;
	s4 =	sadd.s32 s4, s28  }
0x5c: {  	s4 =	smul.u32 $0x3, s4  }
0x5d: {  	_ =	swait.ge [sflag:s21], $0x4000;
	s22 =	sadd.s32 $0xFFFFFF55, s29  }
0x5e: {  	[sflag:s21] =	ssyncset.done $0x0;
	s22 =	sshrl.u32 s22, $0x9;
	s4 =	ssub.s32 s23, s4  }
0x5f: {  	[sflag:s21] =	ssyncadd.s32 $0xFFFFC000;
	s22 =	sand.u32 $0x7F, s22;
	s4 =	sshll.u32 s4, $0x18  }
0x60: {  	_ =	swait.ge [sflag:s21], $0x4000;
	s22 =	smul.u32 $0x3, s22;
	s4 =	sshra.s32 s4, $0x18  }
0x61: {  	[sflag:s21] =	ssyncset.done $0x0;
	s4 =	sshll.u32 s4, $0x11  }
0x62: {  	[sflag:s21] =	ssyncadd.s32 $0xFFFFC000;
	s22 =	sxor.u32 $0xFFFFFFFF, s22;
	s4 =	sshra.s32 s4, $0x2  }
0x63: {  	[hbm4b:s18+s3] =	stream.linear.scatter [tilespmem:s4], [sflag:$0x3], $0x8000, $0x38;
	[tilespmem:$0x19400] =	vst v63  }
0x64: {  	s23 =	sadd.s32 s31, s22;
	_ =	swait.ge [sflag:s16], $0x8000  }
0x65: {  	s12 =	sshrl.u32 s29, $0x9;
	s4 =	sand.u32 $0xFF, s23;
	[sflag:s16] =	ssyncset.done $0x0  }
0x66: {  	s12 =	sand.u32 $0x7F, s12;
	s4 =	sshll.u32 s4, $0xF;
	[sflag:s16] =	ssyncadd.s32 $0xFFFF8000  }
0x67: {  	[tilespmem:s4], [sflag:$0x2] =	stream.indirect.gather.add.f32 [hbm:s2], $0x80, s0, s17, $0xb8;
	[tilespmem:$0x19400] =	vst v63  }
0x68: {  	s25 =	sadd.s32 $0x80, s0;
	s12 =	smul.u32 $0x3, s12;
	s4 =	sor.u32 $0x4000, s4  }
0x69: {  	[tilespmem:s4], [sflag:$0x2] =	stream.indirect.gather.add.f32 [hbm:s2], $0x80, s25, s17, $0xb8;
	[tilespmem:$0x19400] =	vst v63  }
0x6a: {  	s28 =	ssub.s32 s31, s12;
	_ =	swait.ge [sflag:s26], $0x8000  }
0x6b: {  	s0 =	sand.u32 $0xFF, s28;
	[sflag:s26] =	ssyncset.done $0x0  }
0x6c: {  	s0 =	sshll.u32 s0, $0xF;
	[sflag:s26] =	ssyncadd.s32 $0xFFFF8000  }
0x6d: {  	[tilespmem:s0], [sflag:$0x1] =	stream.linear.gather [hbm4b:s1+s3], $0x8000, $0x38;
	[tilespmem:$0x19400] =	vst v63  }
0x6e: {  	_ =	swait.ge [sflag:s21], $0x4000  }
0x6f: {  	[sflag:s21] =	ssyncset.done $0x0  }
0x70: {  	[sflag:s21] =	ssyncadd.s32 $0xFFFFC000  }
0x71: {  	_ =	swait.ge [sflag:s21], $0x4000  }
0x72: {  	[sflag:s21] =	ssyncset.done $0x0  }
0x73: {  	[sflag:s21] =	ssyncadd.s32 $0xFFFFC000  }
0x74: {  	[hbm4b:s9+s3] =	stream.linear.scatter [tilespmem:s3], [sflag:$0x3], $0x8000, $0x38;
	[tilespmem:$0x19400] =	vst v63  }
0x75: {  	_ =	swait.ge [sflag:s16], $0x8000  }
0x76: {  	[sflag:s16] =	ssyncset.done $0x0  }
0x77: {  	s29 =	simm.s32 $0x19300;
	[sflag:s16] =	ssyncadd.s32 $0xFFFF8000  }
0x78: {  	[tilespmem:s20], [sflag:$0x2] =	stream.indirect.gather.add.f32 [hbm:s2], $0x80, s29, s17, $0xb8;
	[tilespmem:$0x19400] =	vst v63  }
0x79: {  	s31 =	simm.s32 $0x19380  }
0x7a: {  	[tilespmem:s24], [sflag:$0x2] =	stream.indirect.gather.add.f32 [hbm:s2], $0x80, s31, s17, $0xb8;
	[tilespmem:$0x19400] =	vst v63  }
0x7b: {  	_ =	swait.ge [sflag:s26], $0x8000  }
0x7c: {  	[sflag:s26] =	ssyncset.done $0x0  }
0x7d: {  	[sflag:s26] =	ssyncadd.s32 $0xFFFF8000  }
0x7e: {  	_ =	swait.ge [sflag:s21], $0x4000  }
0x7f: {  	[sflag:s21] =	ssyncset.done $0x0  }
0x80: {  	[sflag:s21] =	ssyncadd.s32 $0xFFFFC000  }
0x81: {  	s30 =	sadd.s32 $0x1, s30;
	_ =	swait.ge [sflag:s21], $0x4000  }
0x82: {  	p0 =	sne.s32 s30, s11;
	[sflag:s21] =	ssyncset.done $0x0  }
.Ltmp1:
0x83: {  	[sflag:s21] =	ssyncadd.s32 $0xFFFFC000;
	(pc) =	sbr.rel @p0 .LBB2_1-.Ltmp1, $4  }
0x84: {  	[hbm4b:s10+s3] =	stream.linear.scatter [tilespmem:s20], [sflag:$0x3], $0x8000, $0x38;
	[tilespmem:$0x19400] =	vst v63  }
0x85: {  	_ =	swait.ge [sflag:s26], $0x8000  }
0x86: {  	[sflag:s26] =	ssyncset.done $0x0  }
0x87: {  	[sflag:s26] =	ssyncadd.s32 $0xFFFF8000  }
0x88: {  	_ =	sfence.sel $0x180000  }
0x89: {  	[bflag:$0x0] =	sbarrier.arrive $0xFFFF  }
0x8a: {  	_ =	strace $0x90000047  }
0x8b: {  	s0 =	stileid.u32;
	[bflag:$0x2] =	sbarrier.arrive $0xFFFF  }
0x8c: {  	p0 =	sne.s32 s0, $0x0;
	s0 =	rddreg [dreg:$0x4]  }
0x8d: {  	s0 =	sadd.s32 @!p0 $0x100000, s0  }
0x8e: {  	[sflag:s0] =	ssyncadd.tile.s32 @!p0 $0x1;
	_ =	shalt  }
.Lfunc_end2:
_tile_overlayer_lowered:
.L_overlay_start_2:
0x8f: {  	(tag) =	ssettag $0x2  }
0x90: {  	s0 =	rddreg [dreg:$0x0];
	s2 =	stileid.u32  }
0x91: {  	s1 =	rddreg [dreg:$0x1];
	p0 =	sne.s32 s2, $0x0  }
0x92: {  	s3 =	rddreg [dreg:$0x2];
	[bflag:$0x3] =	sbarrier.arrive $0xFFFF;
	s2 =	simm.s32 @!p0 $0x1C04  }
0x93: {  	[timem:s3], [sflag:s2] =	dma.local @!p0 [hbm:s0], s1  }
0x94: {  	s0 =	simm.s32 @!p0 $0x4  }
0x95: {  	_ =	swait.ge @!p0 [sflag:s0], s1  }
0x96: {  	s1 =	ssub.s32 @!p0 $0x0, s1;
	[sflag:s0] =	ssyncset.done @!p0 $0x0  }
0x97: {  	[sflag:s0] =	ssyncadd.s32 @!p0 s1  }
0x98: {  	[bflag:$0x3] =	sbarrier.arrive $0xFFFF  }
0x99: {  	_ =	shalt  }

</sc_bundles>
